<compile_context>
chip_gen: v7x
topology: tpu7x:2x2x1
jax: 0.10.2.dev20260603
libtpu: 0.0.44.dev20260713+nightly
codegen_flags: <defaults>
</compile_context>

<pallas_src>
import functools

import jax
import jax.numpy as jnp
from jax import lax
from jax.experimental import pallas as pl
from jax.experimental.pallas import tpu as pltpu
from jax.experimental.pallas import tpu_sc as plsc

BATCH = 16384
EMBED_DIM = 64
NUM_VARIETIES = 1000000
LANES = 16
NC = 2
NS = 16
NW = NC * NS
B_PER_W = BATCH // NW
N_BLOCKS = NUM_VARIETIES // 128
TAIL_BLK = N_BLOCKS
TAIL_START = N_BLOCKS * 128
Q = EMBED_DIM // LANES


NO_SWITCH = -1
NO_PREFETCH = 0x7FFFFFF


def _sc_variety_gather(vt_T, tail_blk, sidx, enc, dest):
    mesh = plsc.VectorSubcoreMesh(core_axis_name="c", subcore_axis_name="s")

    @functools.partial(
        pl.kernel,
        mesh=mesh,
        compiler_params=pltpu.CompilerParams(needs_layout_passes=False),
        out_type=[pltpu.HBM((BATCH * EMBED_DIM,), jnp.float32)],
        scratch_types=[
            pltpu.VMEM((B_PER_W,), jnp.int32),
            pltpu.VMEM((B_PER_W,), jnp.int32),
            pltpu.VMEM((B_PER_W,), jnp.int32),
            pltpu.VMEM((2, EMBED_DIM, 128), jnp.float32),
            pltpu.VMEM((B_PER_W * EMBED_DIM,), jnp.float32),
            pltpu.SemaphoreType.DMA,
            pltpu.SemaphoreType.DMA,
        ],
    )
    def var_kernel(vt_hbm, tail_hbm, sidx_hbm, enc_hbm, dest_hbm, out_hbm,
                   sidx_v, enc_v, dest_v, blk2_v, rows_v, bsem, osem):
        wid = lax.axis_index("s") * NC + lax.axis_index("c")
        base = wid * B_PER_W
        pltpu.sync_copy(sidx_hbm.at[pl.ds(base, B_PER_W)], sidx_v)
        pltpu.sync_copy(enc_hbm.at[pl.ds(base, B_PER_W)], enc_v)
        pltpu.sync_copy(dest_hbm.at[pl.ds(base, B_PER_W)], dest_v)

        def start_block_dma(b, slot):
            @pl.when(b < TAIL_BLK)
            def _():
                pltpu.async_copy(vt_hbm.at[:, pl.ds(b * 128, 128)],
                                 blk2_v.at[slot], bsem)

            @pl.when(b >= TAIL_BLK)
            def _():
                pltpu.async_copy(tail_hbm, blk2_v.at[slot], bsem)

        first_spl = plsc.load_gather(sidx_v, [jnp.zeros((LANES,), jnp.int32)])
        start_block_dma(first_spl[0] >> 7, 0)

        def item_body(j, carry):
            slot = carry
            jf = jnp.full((LANES,), j, jnp.int32)
            sidx_spl = plsc.load_gather(sidx_v, [jf])
            e = plsc.load_gather(enc_v, [jf])[0]
            is_switch = e != NO_SWITCH
            slot2 = jnp.where(is_switch, 1 - slot, slot)

            @pl.when(is_switch)
            def _():
                pltpu.make_async_copy(
                    tail_hbm, blk2_v.at[slot2], bsem).wait()

                @pl.when(e != NO_PREFETCH)
                def _():
                    start_block_dma(e, 1 - slot2)

            lane_spl = sidx_spl & 127
            slot_spl = jnp.full((LANES,), slot2, jnp.int32)
            for q in range(Q):
                ridx = lax.broadcasted_iota(jnp.int32, (LANES,), 0) + q * LANES
                vals = plsc.load_gather(blk2_v, [slot_spl, ridx, lane_spl])
                rows_v[pl.ds(j * EMBED_DIM + q * LANES, LANES)] = vals
            dest_s = plsc.load_gather(dest_v, [jf])[0]
            pltpu.async_copy(
                rows_v.at[pl.ds(j * EMBED_DIM, EMBED_DIM)],
                out_hbm.at[pl.ds(dest_s * EMBED_DIM, EMBED_DIM)], osem)
            return slot2

        pl.loop(0, B_PER_W, init_carry=jnp.int32(1))(item_body)

        @pl.loop(0, B_PER_W)
        def drain(j):
            pltpu.make_async_copy(
                out_hbm.at[pl.ds(0, EMBED_DIM)],
                rows_v.at[pl.ds(0, EMBED_DIM)], osem).wait()

    return var_kernel(vt_T, tail_blk, sidx, enc, dest)[0]


def _sc_technique_gather(technique_table, tidx2d):
    mesh = plsc.VectorSubcoreMesh(core_axis_name="c", subcore_axis_name="s")
    CHUNK = 128
    N_CHUNKS = B_PER_W // CHUNK

    @functools.partial(
        pl.kernel,
        mesh=mesh,
        compiler_params=pltpu.CompilerParams(use_tc_tiling_on_sc=False),
        out_type=[jax.ShapeDtypeStruct((BATCH, EMBED_DIM), jnp.float32)],
        scratch_types=[
            pltpu.VMEM((N_CHUNKS, CHUNK), jnp.int32),
            pltpu.VMEM((B_PER_W, EMBED_DIM), jnp.float32),
            pltpu.SemaphoreType.DMA,
        ],
    )
    def tech_kernel(tt_hbm, tidx_hbm, tout_hbm, tidx_v, trows_v, tsem):
        wid = lax.axis_index("s") * NC + lax.axis_index("c")
        row0 = wid * N_CHUNKS
        pltpu.sync_copy(tidx_hbm.at[pl.ds(row0, N_CHUNKS)], tidx_v)
        copies = []
        for j in range(N_CHUNKS):
            copies.append(pltpu.async_copy(
                tt_hbm.at[tidx_v.at[j]],
                trows_v.at[pl.ds(j * CHUNK, CHUNK)], tsem))
        for c in copies:
            c.wait()
        base = wid * B_PER_W
        pltpu.sync_copy(trows_v, tout_hbm.at[pl.ds(base, B_PER_W)])

    return tech_kernel(technique_table, tidx2d)[0]


def _gelu_exact(x):
    return 0.5 * x * (1.0 + lax.erf(x * 0.7071067811865476))


def _combine_body(ve_ref, te_ref, cont_ref, wc_ref, bc_ref, wcomb_ref,
                  bcomb_ref, out_ref):
    p = jnp.dot(cont_ref[...], wc_ref[...],
                preferred_element_type=jnp.float32) + bc_ref[...]
    p = _gelu_exact(p)
    comb = jnp.concatenate([ve_ref[...], te_ref[...], p], axis=-1)
    z = jnp.dot(comb, wcomb_ref[...],
                preferred_element_type=jnp.float32) + bcomb_ref[...]
    out_ref[...] = _gelu_exact(z)


def _tc_combine(ve, te, cont, W_cont, b_cont, W_comb, b_comb):
    blk = 1024
    grid = (BATCH // blk,)
    bspec = pl.BlockSpec((blk, EMBED_DIM), lambda i: (i, 0))
    full = lambda shape: pl.BlockSpec(shape, lambda i: (0, 0))
    return pl.pallas_call(
        _combine_body,
        grid=grid,
        in_specs=[
            bspec, bspec, bspec,
            full((EMBED_DIM, EMBED_DIM)),
            full((1, EMBED_DIM)),
            full((3 * EMBED_DIM, EMBED_DIM)),
            full((1, EMBED_DIM)),
        ],
        out_specs=bspec,
        out_shape=jax.ShapeDtypeStruct((BATCH, EMBED_DIM), jnp.float32),
    )(ve, te, cont, W_cont, b_cont, W_comb, b_comb)


def kernel(variety, technique, continuous, variety_table, technique_table,
           W_cont, b_cont, W_comb, b_comb):
    pos = jnp.arange(BATCH, dtype=jnp.int32)
    packed = ((variety >> 7) << 14) | pos
    spacked = jnp.sort(packed)
    order = spacked & (BATCH - 1)
    sidx = jnp.take(variety, order)
    sblk = spacked >> 14
    nxt_diff = sblk[1:] != sblk[:-1]
    BIG = jnp.int32(2 ** 30)
    posarr = jnp.concatenate(
        [jnp.where(nxt_diff, pos[1:], BIG), jnp.full((1,), BIG, jnp.int32)])
    blkarr = jnp.concatenate(
        [jnp.where(nxt_diff, sblk[1:], BIG), jnp.full((1,), BIG, jnp.int32)])
    nxt_pos = lax.cummin(posarr, axis=0, reverse=True)
    nd_blk = lax.cummin(blkarr, axis=0, reverse=True)
    is_first = jnp.concatenate(
        [jnp.ones((1,), jnp.bool_), nxt_diff]) | (pos % B_PER_W == 0)
    worker_end = (pos // B_PER_W) * B_PER_W + (B_PER_W - 1)
    enc = jnp.where(~is_first, NO_SWITCH,
                    jnp.where(nxt_pos <= worker_end, nd_blk, NO_PREFETCH))
    vt_T = variety_table.T
    tail = jnp.pad(variety_table[TAIL_START:], ((0, 64), (0, 0))).T
    ve_flat = _sc_variety_gather(vt_T, tail, sidx, enc, order)
    ve = ve_flat.reshape(BATCH, EMBED_DIM)
    te = _sc_technique_gather(technique_table,
                              technique.reshape(BATCH // 128, 128))
    out = _tc_combine(ve, te, continuous,
                      W_cont, b_cont.reshape(1, EMBED_DIM),
                      W_comb, b_comb.reshape(1, EMBED_DIM))
    return out

# --- scband reference (transcript-rebuilt; emitter-appended) ---
"""Pipeline reference for scband-olive-variety-embedding-83219286327963 (READ-ONLY COPY).

The authoritative reference and input builder live on the scoring server;
editing this copy changes nothing except your own understanding.
"""

import jax, jax.numpy as jnp
import numpy as np

BATCH = 16384
EMBED_DIM = 64
NUM_VARIETIES = 1000000
NUM_TECHNIQUES = 1000
CONT_DIM = 64


def setup_inputs(seed: int = 0) -> dict:
    key = jax.random.key(seed)
    k1, k2, k3, k4, k5, k6, k7, k8, k9 = jax.random.split(key, 9)
    variety = jax.random.randint(k1, (BATCH,), 0, NUM_VARIETIES, dtype=jnp.int64 if jax.config.jax_enable_x64 else jnp.int32).astype(jnp.int32)
    technique = jax.random.randint(k2, (BATCH,), 0, NUM_TECHNIQUES).astype(jnp.int32)
    continuous = jax.random.normal(k3, (BATCH, CONT_DIM), dtype=jnp.float32)
    variety_table = jax.random.normal(k4, (NUM_VARIETIES, EMBED_DIM), dtype=jnp.float32) * 0.05
    technique_table = jax.random.normal(k5, (NUM_TECHNIQUES, EMBED_DIM), dtype=jnp.float32) * 0.05
    W_cont = jax.random.normal(k6, (CONT_DIM, EMBED_DIM), dtype=jnp.float32) * (1.0 / np.sqrt(CONT_DIM))
    b_cont = jnp.zeros((EMBED_DIM,), dtype=jnp.float32)
    W_comb = jax.random.normal(k7, (3 * EMBED_DIM, EMBED_DIM), dtype=jnp.float32) * (1.0 / np.sqrt(3 * EMBED_DIM))
    b_comb = jnp.zeros((EMBED_DIM,), dtype=jnp.float32)
    return {
        "variety": variety,
        "technique": technique,
        "continuous": continuous,
        "variety_table": variety_table,
        "technique_table": technique_table,
        "W_cont": W_cont,
        "b_cont": b_cont,
        "W_comb": W_comb,
        "b_comb": b_comb,
    }


def reference(variety, technique, continuous, variety_table, technique_table, W_cont, b_cont, W_comb, b_comb):
    # Embedding lookups (SparseCore gathers)
    variety_embedded = jnp.take(variety_table, variety, axis=0)      # [B, D]
    technique_embedded = jnp.take(technique_table, technique, axis=0)  # [B, D]
    # Dense projection with exact GELU (keras 'gelu' default approximate=False)
    continuous_projected = jax.nn.gelu(continuous @ W_cont + b_cont, approximate=False)
    combined = jnp.concatenate([variety_embedded, technique_embedded, continuous_projected], axis=-1)  # [B, 3D]
    out = jax.nn.gelu(combined @ W_comb + b_comb, approximate=False)  # [B, D]
    return out

if __name__ == "__main__":
    import jax
    _d = setup_inputs()
    print(jax.jit(kernel)(*tuple(_d.values())))

</pallas_src>

<mosaic_0001>
#map = affine_map<(d0, d1) -> (0, 0)>
module attributes {stable_mosaic.version = 14 : i64} {
  func.func @tech_kernel(%arg0: i32, %arg1: i32, %arg2: memref<1000x64xf32, #tpu.memory_space<hbm>>, %arg3: memref<128x128xi32, #tpu.memory_space<hbm>>, %arg4: memref<16384x64xf32, #tpu.memory_space<hbm>>, %arg5: memref<4x128xi32, #tpu.memory_space<vmem>>, %arg6: memref<512x64xf32, #tpu.memory_space<vmem>>, %arg7: memref<!tpu.dma_semaphore, #tpu.memory_space<semaphore_mem>>) attributes {dimension_semantics = [#tpu.dimension_semantics<core_parallel>, #tpu.dimension_semantics<subcore_parallel>], iteration_bounds = array<i64: 2, 16>, scalar_prefetch = 0 : i64, scratch_operands = 3 : i64, tpu.core_type = #tpu.core_type<sc_vector_subcore>, window_params = [{transform_indices = #map}, {transform_indices = #map}, {transform_indices = #map}]} {
    %mul3A = arith.constant 2 : i32
    %mul3A_0 = arith.muli %arg1, %mul3A : i32
    %add3A = arith.addi %mul3A_0, %arg0 : i32
    %mul3A_1 = arith.constant 4 : i32
    %mul3A_2 = arith.muli %add3A, %mul3A_1 : i32
    "tpu.region"() ({
      %run_scoped3A = tpu.sem_alloc : memref<!tpu.dma_semaphore, #tpu.memory_space<semaphore_mem>>
      %dma_start3A_83 = arith.constant 0 : i32
      %dma_start3A_84 = tpu.memref_slice %arg3[%mul3A_2, %dma_start3A_83] : memref<128x128xi32, #tpu.memory_space<hbm>> -> memref<4x128xi32, #tpu.memory_space<hbm>>
      %dma_start3A_85 = arith.constant 0 : i32
      %dma_start3A_86 = tpu.memref_slice %arg3[%mul3A_2, %dma_start3A_85] : memref<128x128xi32, #tpu.memory_space<hbm>> -> memref<4x128xi32, #tpu.memory_space<hbm>>
      tpu.enqueue_dma source(%dma_start3A_86 : memref<4x128xi32, #tpu.memory_space<hbm>>) target(%arg5 : memref<4x128xi32, #tpu.memory_space<vmem>>) target_semaphore(%run_scoped3A : memref<!tpu.dma_semaphore, #tpu.memory_space<semaphore_mem>>)
      %dma_wait3A_87 = arith.constant 0 : i32
      %dma_wait3A_88 = tpu.memref_slice %arg3[%mul3A_2, %dma_wait3A_87] : memref<128x128xi32, #tpu.memory_space<hbm>> -> memref<4x128xi32, #tpu.memory_space<hbm>>
      %dma_wait3A_89 = arith.constant 0 : i32
      %dma_wait3A_90 = tpu.memref_slice %arg3[%mul3A_2, %dma_wait3A_89] : memref<128x128xi32, #tpu.memory_space<hbm>> -> memref<4x128xi32, #tpu.memory_space<hbm>>
      tpu.wait_dma2 semaphore(%run_scoped3A : memref<!tpu.dma_semaphore, #tpu.memory_space<semaphore_mem>>) src(%dma_wait3A_90 : memref<4x128xi32, #tpu.memory_space<hbm>>) dst(%arg5 : memref<4x128xi32, #tpu.memory_space<vmem>>)
      tpu.yield
    }) : () -> ()
    %dma_start3A = arith.constant 0 : i32
    %dma_start3A_3 = arith.constant 0 : i32
    %dma_start3A_4 = arith.constant 0 : i32
    %dma_start3A_5 = tpu.memref_slice %arg6[%dma_start3A_3, %dma_start3A_4] : memref<512x64xf32, #tpu.memory_space<vmem>> -> memref<128x64xf32, #tpu.memory_space<vmem>>
    %dma_start3A_6 = arith.constant 0 : i32
    %dma_start3A_7 = tpu.memref_slice %arg5[%dma_start3A, %dma_start3A_6] : memref<4x128xi32, #tpu.memory_space<vmem>> -> memref<1x128xi32, #tpu.memory_space<vmem>>
    %dma_start3A_8 = tpu.memref_squeeze %dma_start3A_7 : memref<1x128xi32, #tpu.memory_space<vmem>> -> memref<128xi32, #tpu.memory_space<vmem>>
    %dma_start3A_9 = arith.constant 0 : i32
    %dma_start3A_10 = arith.constant 0 : i32
    %dma_start3A_11 = tpu.memref_slice %arg2[%dma_start3A_9, %dma_start3A_10] : memref<1000x64xf32, #tpu.memory_space<hbm>> -> memref<1000x64xf32, #tpu.memory_space<hbm>>
    tpu.enqueue_indirect_dma source(%dma_start3A_11 : memref<1000x64xf32, #tpu.memory_space<hbm>>) target(%dma_start3A_5 : memref<128x64xf32, #tpu.memory_space<vmem>>) offsets(%dma_start3A_8 : memref<128xi32, #tpu.memory_space<vmem>>) semaphore(%arg7 : memref<!tpu.dma_semaphore, #tpu.memory_space<semaphore_mem>>)
    %dma_start3A_12 = arith.constant 1 : i32
    %dma_start3A_13 = arith.constant 128 : i32
    %dma_start3A_14 = arith.constant 0 : i32
    %dma_start3A_15 = tpu.memref_slice %arg6[%dma_start3A_13, %dma_start3A_14] : memref<512x64xf32, #tpu.memory_space<vmem>> -> memref<128x64xf32, #tpu.memory_space<vmem>>
    %dma_start3A_16 = arith.constant 0 : i32
    %dma_start3A_17 = tpu.memref_slice %arg5[%dma_start3A_12, %dma_start3A_16] : memref<4x128xi32, #tpu.memory_space<vmem>> -> memref<1x128xi32, #tpu.memory_space<vmem>>
    %dma_start3A_18 = tpu.memref_squeeze %dma_start3A_17 : memref<1x128xi32, #tpu.memory_space<vmem>> -> memref<128xi32, #tpu.memory_space<vmem>>
    %dma_start3A_19 = arith.constant 0 : i32
    %dma_start3A_20 = arith.constant 0 : i32
    %dma_start3A_21 = tpu.memref_slice %arg2[%dma_start3A_19, %dma_start3A_20] : memref<1000x64xf32, #tpu.memory_space<hbm>> -> memref<1000x64xf32, #tpu.memory_space<hbm>>
    tpu.enqueue_indirect_dma source(%dma_start3A_21 : memref<1000x64xf32, #tpu.memory_space<hbm>>) target(%dma_start3A_15 : memref<128x64xf32, #tpu.memory_space<vmem>>) offsets(%dma_start3A_18 : memref<128xi32, #tpu.memory_space<vmem>>) semaphore(%arg7 : memref<!tpu.dma_semaphore, #tpu.memory_space<semaphore_mem>>)
    %dma_start3A_22 = arith.constant 2 : i32
    %dma_start3A_23 = arith.constant 256 : i32
    %dma_start3A_24 = arith.constant 0 : i32
    %dma_start3A_25 = tpu.memref_slice %arg6[%dma_start3A_23, %dma_start3A_24] : memref<512x64xf32, #tpu.memory_space<vmem>> -> memref<128x64xf32, #tpu.memory_space<vmem>>
    %dma_start3A_26 = arith.constant 0 : i32
    %dma_start3A_27 = tpu.memref_slice %arg5[%dma_start3A_22, %dma_start3A_26] : memref<4x128xi32, #tpu.memory_space<vmem>> -> memref<1x128xi32, #tpu.memory_space<vmem>>
    %dma_start3A_28 = tpu.memref_squeeze %dma_start3A_27 : memref<1x128xi32, #tpu.memory_space<vmem>> -> memref<128xi32, #tpu.memory_space<vmem>>
    %dma_start3A_29 = arith.constant 0 : i32
    %dma_start3A_30 = arith.constant 0 : i32
    %dma_start3A_31 = tpu.memref_slice %arg2[%dma_start3A_29, %dma_start3A_30] : memref<1000x64xf32, #tpu.memory_space<hbm>> -> memref<1000x64xf32, #tpu.memory_space<hbm>>
    tpu.enqueue_indirect_dma source(%dma_start3A_31 : memref<1000x64xf32, #tpu.memory_space<hbm>>) target(%dma_start3A_25 : memref<128x64xf32, #tpu.memory_space<vmem>>) offsets(%dma_start3A_28 : memref<128xi32, #tpu.memory_space<vmem>>) semaphore(%arg7 : memref<!tpu.dma_semaphore, #tpu.memory_space<semaphore_mem>>)
    %dma_start3A_32 = arith.constant 3 : i32
    %dma_start3A_33 = arith.constant 384 : i32
    %dma_start3A_34 = arith.constant 0 : i32
    %dma_start3A_35 = tpu.memref_slice %arg6[%dma_start3A_33, %dma_start3A_34] : memref<512x64xf32, #tpu.memory_space<vmem>> -> memref<128x64xf32, #tpu.memory_space<vmem>>
    %dma_start3A_36 = arith.constant 0 : i32
    %dma_start3A_37 = tpu.memref_slice %arg5[%dma_start3A_32, %dma_start3A_36] : memref<4x128xi32, #tpu.memory_space<vmem>> -> memref<1x128xi32, #tpu.memory_space<vmem>>
    %dma_start3A_38 = tpu.memref_squeeze %dma_start3A_37 : memref<1x128xi32, #tpu.memory_space<vmem>> -> memref<128xi32, #tpu.memory_space<vmem>>
    %dma_start3A_39 = arith.constant 0 : i32
    %dma_start3A_40 = arith.constant 0 : i32
    %dma_start3A_41 = tpu.memref_slice %arg2[%dma_start3A_39, %dma_start3A_40] : memref<1000x64xf32, #tpu.memory_space<hbm>> -> memref<1000x64xf32, #tpu.memory_space<hbm>>
    tpu.enqueue_indirect_dma source(%dma_start3A_41 : memref<1000x64xf32, #tpu.memory_space<hbm>>) target(%dma_start3A_35 : memref<128x64xf32, #tpu.memory_space<vmem>>) offsets(%dma_start3A_38 : memref<128xi32, #tpu.memory_space<vmem>>) semaphore(%arg7 : memref<!tpu.dma_semaphore, #tpu.memory_space<semaphore_mem>>)
    %dma_wait3A = arith.constant 0 : i32
    %dma_wait3A_42 = arith.constant 0 : i32
    %dma_wait3A_43 = arith.constant 0 : i32
    %dma_wait3A_44 = tpu.memref_slice %arg6[%dma_wait3A_42, %dma_wait3A_43] : memref<512x64xf32, #tpu.memory_space<vmem>> -> memref<128x64xf32, #tpu.memory_space<vmem>>
    %dma_wait3A_45 = arith.constant 0 : i32
    %dma_wait3A_46 = tpu.memref_slice %arg5[%dma_wait3A, %dma_wait3A_45] : memref<4x128xi32, #tpu.memory_space<vmem>> -> memref<1x128xi32, #tpu.memory_space<vmem>>
    %dma_wait3A_47 = tpu.memref_squeeze %dma_wait3A_46 : memref<1x128xi32, #tpu.memory_space<vmem>> -> memref<128xi32, #tpu.memory_space<vmem>>
    %dma_wait3A_48 = arith.constant 0 : i32
    %dma_wait3A_49 = arith.constant 0 : i32
    %dma_wait3A_50 = tpu.memref_slice %arg2[%dma_wait3A_48, %dma_wait3A_49] : memref<1000x64xf32, #tpu.memory_space<hbm>> -> memref<1000x64xf32, #tpu.memory_space<hbm>>
    tpu.wait_indirect_dma semaphore(%arg7 : memref<!tpu.dma_semaphore, #tpu.memory_space<semaphore_mem>>) src(%dma_wait3A_50 : memref<1000x64xf32, #tpu.memory_space<hbm>>) dst(%dma_wait3A_44 : memref<128x64xf32, #tpu.memory_space<vmem>>)
    %dma_wait3A_51 = arith.constant 1 : i32
    %dma_wait3A_52 = arith.constant 128 : i32
    %dma_wait3A_53 = arith.constant 0 : i32
    %dma_wait3A_54 = tpu.memref_slice %arg6[%dma_wait3A_52, %dma_wait3A_53] : memref<512x64xf32, #tpu.memory_space<vmem>> -> memref<128x64xf32, #tpu.memory_space<vmem>>
    %dma_wait3A_55 = arith.constant 0 : i32
    %dma_wait3A_56 = tpu.memref_slice %arg5[%dma_wait3A_51, %dma_wait3A_55] : memref<4x128xi32, #tpu.memory_space<vmem>> -> memref<1x128xi32, #tpu.memory_space<vmem>>
    %dma_wait3A_57 = tpu.memref_squeeze %dma_wait3A_56 : memref<1x128xi32, #tpu.memory_space<vmem>> -> memref<128xi32, #tpu.memory_space<vmem>>
    %dma_wait3A_58 = arith.constant 0 : i32
    %dma_wait3A_59 = arith.constant 0 : i32
    %dma_wait3A_60 = tpu.memref_slice %arg2[%dma_wait3A_58, %dma_wait3A_59] : memref<1000x64xf32, #tpu.memory_space<hbm>> -> memref<1000x64xf32, #tpu.memory_space<hbm>>
    tpu.wait_indirect_dma semaphore(%arg7 : memref<!tpu.dma_semaphore, #tpu.memory_space<semaphore_mem>>) src(%dma_wait3A_60 : memref<1000x64xf32, #tpu.memory_space<hbm>>) dst(%dma_wait3A_54 : memref<128x64xf32, #tpu.memory_space<vmem>>)
    %dma_wait3A_61 = arith.constant 2 : i32
    %dma_wait3A_62 = arith.constant 256 : i32
    %dma_wait3A_63 = arith.constant 0 : i32
    %dma_wait3A_64 = tpu.memref_slice %arg6[%dma_wait3A_62, %dma_wait3A_63] : memref<512x64xf32, #tpu.memory_space<vmem>> -> memref<128x64xf32, #tpu.memory_space<vmem>>
    %dma_wait3A_65 = arith.constant 0 : i32
    %dma_wait3A_66 = tpu.memref_slice %arg5[%dma_wait3A_61, %dma_wait3A_65] : memref<4x128xi32, #tpu.memory_space<vmem>> -> memref<1x128xi32, #tpu.memory_space<vmem>>
    %dma_wait3A_67 = tpu.memref_squeeze %dma_wait3A_66 : memref<1x128xi32, #tpu.memory_space<vmem>> -> memref<128xi32, #tpu.memory_space<vmem>>
    %dma_wait3A_68 = arith.constant 0 : i32
    %dma_wait3A_69 = arith.constant 0 : i32
    %dma_wait3A_70 = tpu.memref_slice %arg2[%dma_wait3A_68, %dma_wait3A_69] : memref<1000x64xf32, #tpu.memory_space<hbm>> -> memref<1000x64xf32, #tpu.memory_space<hbm>>
    tpu.wait_indirect_dma semaphore(%arg7 : memref<!tpu.dma_semaphore, #tpu.memory_space<semaphore_mem>>) src(%dma_wait3A_70 : memref<1000x64xf32, #tpu.memory_space<hbm>>) dst(%dma_wait3A_64 : memref<128x64xf32, #tpu.memory_space<vmem>>)
    %dma_wait3A_71 = arith.constant 3 : i32
    %dma_wait3A_72 = arith.constant 384 : i32
    %dma_wait3A_73 = arith.constant 0 : i32
    %dma_wait3A_74 = tpu.memref_slice %arg6[%dma_wait3A_72, %dma_wait3A_73] : memref<512x64xf32, #tpu.memory_space<vmem>> -> memref<128x64xf32, #tpu.memory_space<vmem>>
    %dma_wait3A_75 = arith.constant 0 : i32
    %dma_wait3A_76 = tpu.memref_slice %arg5[%dma_wait3A_71, %dma_wait3A_75] : memref<4x128xi32, #tpu.memory_space<vmem>> -> memref<1x128xi32, #tpu.memory_space<vmem>>
    %dma_wait3A_77 = tpu.memref_squeeze %dma_wait3A_76 : memref<1x128xi32, #tpu.memory_space<vmem>> -> memref<128xi32, #tpu.memory_space<vmem>>
    %dma_wait3A_78 = arith.constant 0 : i32
    %dma_wait3A_79 = arith.constant 0 : i32
    %dma_wait3A_80 = tpu.memref_slice %arg2[%dma_wait3A_78, %dma_wait3A_79] : memref<1000x64xf32, #tpu.memory_space<hbm>> -> memref<1000x64xf32, #tpu.memory_space<hbm>>
    tpu.wait_indirect_dma semaphore(%arg7 : memref<!tpu.dma_semaphore, #tpu.memory_space<semaphore_mem>>) src(%dma_wait3A_80 : memref<1000x64xf32, #tpu.memory_space<hbm>>) dst(%dma_wait3A_74 : memref<128x64xf32, #tpu.memory_space<vmem>>)
    %mul3A_81 = arith.constant 512 : i32
    %mul3A_82 = arith.muli %add3A, %mul3A_81 : i32
    "tpu.region"() ({
      %run_scoped3A = tpu.sem_alloc : memref<!tpu.dma_semaphore, #tpu.memory_space<semaphore_mem>>
      %dma_start3A_83 = arith.constant 0 : i32
      %dma_start3A_84 = tpu.memref_slice %arg4[%mul3A_82, %dma_start3A_83] : memref<16384x64xf32, #tpu.memory_space<hbm>> -> memref<512x64xf32, #tpu.memory_space<hbm>>
      %dma_start3A_85 = arith.constant 0 : i32
      %dma_start3A_86 = tpu.memref_slice %arg4[%mul3A_82, %dma_start3A_85] : memref<16384x64xf32, #tpu.memory_space<hbm>> -> memref<512x64xf32, #tpu.memory_space<hbm>>
      tpu.enqueue_dma source(%arg6 : memref<512x64xf32, #tpu.memory_space<vmem>>) target(%dma_start3A_86 : memref<512x64xf32, #tpu.memory_space<hbm>>) target_semaphore(%run_scoped3A : memref<!tpu.dma_semaphore, #tpu.memory_space<semaphore_mem>>)
      %dma_wait3A_87 = arith.constant 0 : i32
      %dma_wait3A_88 = tpu.memref_slice %arg4[%mul3A_82, %dma_wait3A_87] : memref<16384x64xf32, #tpu.memory_space<hbm>> -> memref<512x64xf32, #tpu.memory_space<hbm>>
      %dma_wait3A_89 = arith.constant 0 : i32
      %dma_wait3A_90 = tpu.memref_slice %arg4[%mul3A_82, %dma_wait3A_89] : memref<16384x64xf32, #tpu.memory_space<hbm>> -> memref<512x64xf32, #tpu.memory_space<hbm>>
      tpu.wait_dma2 semaphore(%run_scoped3A : memref<!tpu.dma_semaphore, #tpu.memory_space<semaphore_mem>>) src(%arg6 : memref<512x64xf32, #tpu.memory_space<vmem>>) dst(%dma_wait3A_90 : memref<512x64xf32, #tpu.memory_space<hbm>>)
      tpu.yield
    }) : () -> ()
    return
  }
}

#map = affine_map<(d0, d1) -> (0, 0)>
#map1 = affine_map<(d0, d1) -> (0)>
module attributes {stable_mosaic.version = 14 : i64} {
  func.func @var_kernel(%arg0: i32, %arg1: i32, %arg2: memref<64x1000000xf32, #tpu.memory_space<hbm>>, %arg3: memref<64x128xf32, #tpu.memory_space<hbm>>, %arg4: memref<16384xi32, #tpu.memory_space<hbm>>, %arg5: memref<16384xi32, #tpu.memory_space<hbm>>, %arg6: memref<16384xi32, #tpu.memory_space<hbm>>, %arg7: memref<1048576xf32, #tpu.memory_space<hbm>>, %arg8: memref<512xi32, #tpu.memory_space<vmem>>, %arg9: memref<512xi32, #tpu.memory_space<vmem>>, %arg10: memref<512xi32, #tpu.memory_space<vmem>>, %arg11: memref<2x64x128xf32, #tpu.memory_space<vmem>>, %arg12: memref<32768xf32, #tpu.memory_space<vmem>>, %arg13: memref<!tpu.dma_semaphore, #tpu.memory_space<semaphore_mem>>, %arg14: memref<!tpu.dma_semaphore, #tpu.memory_space<semaphore_mem>>) attributes {dimension_semantics = [#tpu.dimension_semantics<core_parallel>, #tpu.dimension_semantics<subcore_parallel>], iteration_bounds = array<i64: 2, 16>, scalar_prefetch = 0 : i64, scratch_operands = 7 : i64, tpu.core_type = #tpu.core_type<sc_vector_subcore>, window_params = [{transform_indices = #map}, {transform_indices = #map}, {transform_indices = #map1}, {transform_indices = #map1}, {transform_indices = #map1}, {transform_indices = #map1}]} {
    %mul3A = arith.constant 2 : i32
    %mul3A_0 = arith.muli %arg1, %mul3A : i32
    %add3A = arith.addi %mul3A_0, %arg0 : i32
    %mul3A_1 = arith.constant 512 : i32
    %mul3A_2 = arith.muli %add3A, %mul3A_1 : i32
    "tpu.region"() ({
      %run_scoped3A = tpu.sem_alloc : memref<!tpu.dma_semaphore, #tpu.memory_space<semaphore_mem>>
      %dma_start3A = tpu.memref_slice %arg4[%mul3A_2] : memref<16384xi32, #tpu.memory_space<hbm>> -> memref<512xi32, #tpu.memory_space<hbm>>
      %dma_start3A_22 = tpu.memref_slice %arg4[%mul3A_2] : memref<16384xi32, #tpu.memory_space<hbm>> -> memref<512xi32, #tpu.memory_space<hbm>>
      tpu.enqueue_dma source(%dma_start3A_22 : memref<512xi32, #tpu.memory_space<hbm>>) target(%arg8 : memref<512xi32, #tpu.memory_space<vmem>>) target_semaphore(%run_scoped3A : memref<!tpu.dma_semaphore, #tpu.memory_space<semaphore_mem>>)
      %dma_wait3A = tpu.memref_slice %arg4[%mul3A_2] : memref<16384xi32, #tpu.memory_space<hbm>> -> memref<512xi32, #tpu.memory_space<hbm>>
      %dma_wait3A_23 = tpu.memref_slice %arg4[%mul3A_2] : memref<16384xi32, #tpu.memory_space<hbm>> -> memref<512xi32, #tpu.memory_space<hbm>>
      tpu.wait_dma2 semaphore(%run_scoped3A : memref<!tpu.dma_semaphore, #tpu.memory_space<semaphore_mem>>) src(%dma_wait3A_23 : memref<512xi32, #tpu.memory_space<hbm>>) dst(%arg8 : memref<512xi32, #tpu.memory_space<vmem>>)
      tpu.yield
    }) : () -> ()
    "tpu.region"() ({
      %run_scoped3A = tpu.sem_alloc : memref<!tpu.dma_semaphore, #tpu.memory_space<semaphore_mem>>
      %dma_start3A = tpu.memref_slice %arg5[%mul3A_2] : memref<16384xi32, #tpu.memory_space<hbm>> -> memref<512xi32, #tpu.memory_space<hbm>>
      %dma_start3A_22 = tpu.memref_slice %arg5[%mul3A_2] : memref<16384xi32, #tpu.memory_space<hbm>> -> memref<512xi32, #tpu.memory_space<hbm>>
      tpu.enqueue_dma source(%dma_start3A_22 : memref<512xi32, #tpu.memory_space<hbm>>) target(%arg9 : memref<512xi32, #tpu.memory_space<vmem>>) target_semaphore(%run_scoped3A : memref<!tpu.dma_semaphore, #tpu.memory_space<semaphore_mem>>)
      %dma_wait3A = tpu.memref_slice %arg5[%mul3A_2] : memref<16384xi32, #tpu.memory_space<hbm>> -> memref<512xi32, #tpu.memory_space<hbm>>
      %dma_wait3A_23 = tpu.memref_slice %arg5[%mul3A_2] : memref<16384xi32, #tpu.memory_space<hbm>> -> memref<512xi32, #tpu.memory_space<hbm>>
      tpu.wait_dma2 semaphore(%run_scoped3A : memref<!tpu.dma_semaphore, #tpu.memory_space<semaphore_mem>>) src(%dma_wait3A_23 : memref<512xi32, #tpu.memory_space<hbm>>) dst(%arg9 : memref<512xi32, #tpu.memory_space<vmem>>)
      tpu.yield
    }) : () -> ()
    "tpu.region"() ({
      %run_scoped3A = tpu.sem_alloc : memref<!tpu.dma_semaphore, #tpu.memory_space<semaphore_mem>>
      %dma_start3A = tpu.memref_slice %arg6[%mul3A_2] : memref<16384xi32, #tpu.memory_space<hbm>> -> memref<512xi32, #tpu.memory_space<hbm>>
      %dma_start3A_22 = tpu.memref_slice %arg6[%mul3A_2] : memref<16384xi32, #tpu.memory_space<hbm>> -> memref<512xi32, #tpu.memory_space<hbm>>
      tpu.enqueue_dma source(%dma_start3A_22 : memref<512xi32, #tpu.memory_space<hbm>>) target(%arg10 : memref<512xi32, #tpu.memory_space<vmem>>) target_semaphore(%run_scoped3A : memref<!tpu.dma_semaphore, #tpu.memory_space<semaphore_mem>>)
      %dma_wait3A = tpu.memref_slice %arg6[%mul3A_2] : memref<16384xi32, #tpu.memory_space<hbm>> -> memref<512xi32, #tpu.memory_space<hbm>>
      %dma_wait3A_23 = tpu.memref_slice %arg6[%mul3A_2] : memref<16384xi32, #tpu.memory_space<hbm>> -> memref<512xi32, #tpu.memory_space<hbm>>
      tpu.wait_dma2 semaphore(%run_scoped3A : memref<!tpu.dma_semaphore, #tpu.memory_space<semaphore_mem>>) src(%dma_wait3A_23 : memref<512xi32, #tpu.memory_space<hbm>>) dst(%arg10 : memref<512xi32, #tpu.memory_space<vmem>>)
      tpu.yield
    }) : () -> ()
    %broadcast_in_dim3A = arith.constant 0 : i32
    %broadcast_in_dim3A_3 = vector.broadcast %broadcast_in_dim3A : i32 to vector<16xi32>
    %gather3A = tpu.vector_load_idx %arg8[%broadcast_in_dim3A_3] : memref<512xi32, #tpu.memory_space<vmem>>[vector<16xi32>], vector<16xi32>,
    %slice3A = vector.extract_strided_slice %gather3A {offsets = [0], sizes = [1], strides = [1]} : vector<16xi32> to vector<1xi32>
    %squeeze3A = vector.extract %slice3A[0] : i32 from vector<1xi32>
    %shift_right_arithmetic3A = arith.constant 7 : i32
    %shift_right_arithmetic3A_4 = arith.shrsi %squeeze3A, %shift_right_arithmetic3A : i32
    %lt3A = arith.constant 7812 : i32
    %lt3A_5 = arith.cmpi slt, %shift_right_arithmetic3A_4, %lt3A : i32
    %convert_element_type3A = arith.extui %lt3A_5 : i1 to i32
    %cond3A = arith.constant 0 : i32
    %cond3A_6 = arith.cmpi ne, %convert_element_type3A, %cond3A : i32
    scf.if %cond3A_6 {
      %mul3A_22 = arith.constant 128 : i32
      %mul3A_23 = arith.muli %shift_right_arithmetic3A_4, %mul3A_22 : i32
      %dma_start3A = arith.constant 0 : i32
      %dma_start3A_24 = arith.constant 0 : i32
      %dma_start3A_25 = arith.constant 0 : i32
      %dma_start3A_26 = tpu.memref_slice %arg11[%dma_start3A, %dma_start3A_24, %dma_start3A_25] : memref<2x64x128xf32, #tpu.memory_space<vmem>> -> memref<1x64x128xf32, #tpu.memory_space<vmem>>
      %dma_start3A_27 = tpu.memref_squeeze %dma_start3A_26 : memref<1x64x128xf32, #tpu.memory_space<vmem>> -> memref<64x128xf32, #tpu.memory_space<vmem>>
      %dma_start3A_28 = arith.constant 0 : i32
      %dma_start3A_29 = tpu.memref_slice %arg2[%dma_start3A_28, %mul3A_23] : memref<64x1000000xf32, #tpu.memory_space<hbm>> -> memref<64x128xf32, #tpu.memory_space<hbm>>
      %dma_start3A_30 = arith.constant 0 : i32
      %dma_start3A_31 = arith.constant 0 : i32
      %dma_start3A_32 = tpu.memref_slice %arg11[%dma_start3A, %dma_start3A_30, %dma_start3A_31] : memref<2x64x128xf32, #tpu.memory_space<vmem>> -> memref<1x64x128xf32, #tpu.memory_space<vmem>>
      %dma_start3A_33 = tpu.memref_squeeze %dma_start3A_32 : memref<1x64x128xf32, #tpu.memory_space<vmem>> -> memref<64x128xf32, #tpu.memory_space<vmem>>
      %dma_start3A_34 = arith.constant 0 : i32
      %dma_start3A_35 = tpu.memref_slice %arg2[%dma_start3A_34, %mul3A_23] : memref<64x1000000xf32, #tpu.memory_space<hbm>> -> memref<64x128xf32, #tpu.memory_space<hbm>>
      tpu.enqueue_dma source(%dma_start3A_35 : memref<64x128xf32, #tpu.memory_space<hbm>>) target(%dma_start3A_33 : memref<64x128xf32, #tpu.memory_space<vmem>>) target_semaphore(%arg13 : memref<!tpu.dma_semaphore, #tpu.memory_space<semaphore_mem>>)
    } else {
    }
    %ge3A = arith.constant 7812 : i32
    %ge3A_7 = arith.cmpi sge, %shift_right_arithmetic3A_4, %ge3A : i32
    %convert_element_type3A_8 = arith.extui %ge3A_7 : i1 to i32
    %cond3A_9 = arith.constant 0 : i32
    %cond3A_10 = arith.cmpi ne, %convert_element_type3A_8, %cond3A_9 : i32
    scf.if %cond3A_10 {
      %dma_start3A = arith.constant 0 : i32
      %dma_start3A_22 = arith.constant 0 : i32
      %dma_start3A_23 = arith.constant 0 : i32
      %dma_start3A_24 = tpu.memref_slice %arg11[%dma_start3A, %dma_start3A_22, %dma_start3A_23] : memref<2x64x128xf32, #tpu.memory_space<vmem>> -> memref<1x64x128xf32, #tpu.memory_space<vmem>>
      %dma_start3A_25 = tpu.memref_squeeze %dma_start3A_24 : memref<1x64x128xf32, #tpu.memory_space<vmem>> -> memref<64x128xf32, #tpu.memory_space<vmem>>
      %dma_start3A_26 = arith.constant 0 : i32
      %dma_start3A_27 = arith.constant 0 : i32
      %dma_start3A_28 = tpu.memref_slice %arg11[%dma_start3A, %dma_start3A_26, %dma_start3A_27] : memref<2x64x128xf32, #tpu.memory_space<vmem>> -> memref<1x64x128xf32, #tpu.memory_space<vmem>>
      %dma_start3A_29 = tpu.memref_squeeze %dma_start3A_28 : memref<1x64x128xf32, #tpu.memory_space<vmem>> -> memref<64x128xf32, #tpu.memory_space<vmem>>
      tpu.enqueue_dma source(%arg3 : memref<64x128xf32, #tpu.memory_space<hbm>>) target(%dma_start3A_29 : memref<64x128xf32, #tpu.memory_space<vmem>>) target_semaphore(%arg13 : memref<!tpu.dma_semaphore, #tpu.memory_space<semaphore_mem>>)
    } else {
    }
    %scan3A = arith.constant 1 : i32
    %scan3A_11 = arith.constant 0 : i32
    %scan3A_12 = arith.constant 512 : i32
    %scan3A_13 = arith.addi %scan3A_11, %scan3A_12 : i32
    %scan3A_14 = arith.constant 1 : i32
    %scan3A_15 = scf.for %scan3A_22 = %scan3A_11 to %scan3A_13 step %scan3A_14 iter_args(%scan3A_23 = %scan3A) -> (i32)  : i32 {
      %mul3A_24 = arith.constant 1 : i32
      %mul3A_25 = arith.muli %scan3A_22, %mul3A_24 : i32
      %add3A_26 = arith.constant 0 : i32
      %add3A_27 = arith.addi %add3A_26, %mul3A_25 : i32
      %broadcast_in_dim3A_28 = vector.broadcast %add3A_27 : i32 to vector<16xi32>
      %gather3A_29 = tpu.vector_load_idx %arg8[%broadcast_in_dim3A_28] : memref<512xi32, #tpu.memory_space<vmem>>[vector<16xi32>], vector<16xi32>,
      %gather3A_30 = tpu.vector_load_idx %arg9[%broadcast_in_dim3A_28] : memref<512xi32, #tpu.memory_space<vmem>>[vector<16xi32>], vector<16xi32>,
      %slice3A_31 = vector.extract_strided_slice %gather3A_30 {offsets = [0], sizes = [1], strides = [1]} : vector<16xi32> to vector<1xi32>
      %squeeze3A_32 = vector.extract %slice3A_31[0] : i32 from vector<1xi32>
      %ne3A = arith.constant -1 : i32
      %ne3A_33 = arith.cmpi ne, %squeeze3A_32, %ne3A : i32
      %sub3A = arith.constant 1 : i32
      %sub3A_34 = arith.subi %sub3A, %scan3A_23 : i32
      %select_n3A = arith.select %ne3A_33, %sub3A_34, %scan3A_23 : i32
      %convert_element_type3A_35 = arith.extui %ne3A_33 : i1 to i32
      %cond3A_36 = arith.constant 0 : i32
      %cond3A_37 = arith.cmpi ne, %convert_element_type3A_35, %cond3A_36 : i32
      scf.if %cond3A_37 {
        %dma_wait3A = arith.constant 0 : i32
        %dma_wait3A_93 = arith.constant 0 : i32
        %dma_wait3A_94 = tpu.memref_slice %arg11[%select_n3A, %dma_wait3A, %dma_wait3A_93] : memref<2x64x128xf32, #tpu.memory_space<vmem>> -> memref<1x64x128xf32, #tpu.memory_space<vmem>>
        %dma_wait3A_95 = tpu.memref_squeeze %dma_wait3A_94 : memref<1x64x128xf32, #tpu.memory_space<vmem>> -> memref<64x128xf32, #tpu.memory_space<vmem>>
        %dma_wait3A_96 = arith.constant 0 : i32
        %dma_wait3A_97 = arith.constant 0 : i32
        %dma_wait3A_98 = tpu.memref_slice %arg11[%select_n3A, %dma_wait3A_96, %dma_wait3A_97] : memref<2x64x128xf32, #tpu.memory_space<vmem>> -> memref<1x64x128xf32, #tpu.memory_space<vmem>>
        %dma_wait3A_99 = tpu.memref_squeeze %dma_wait3A_98 : memref<1x64x128xf32, #tpu.memory_space<vmem>> -> memref<64x128xf32, #tpu.memory_space<vmem>>
        tpu.wait_dma2 semaphore(%arg13 : memref<!tpu.dma_semaphore, #tpu.memory_space<semaphore_mem>>) src(%arg3 : memref<64x128xf32, #tpu.memory_space<hbm>>) dst(%dma_wait3A_99 : memref<64x128xf32, #tpu.memory_space<vmem>>)
        %ne3A_100 = arith.constant 134217727 : i32
        %ne3A_101 = arith.cmpi ne, %squeeze3A_32, %ne3A_100 : i32
        %convert_element_type3A_102 = arith.extui %ne3A_101 : i1 to i32
        %cond3A_103 = arith.constant 0 : i32
        %cond3A_104 = arith.cmpi ne, %convert_element_type3A_102, %cond3A_103 : i32
        scf.if %cond3A_104 {
          %sub3A_105 = arith.constant 1 : i32
          %sub3A_106 = arith.subi %sub3A_105, %select_n3A : i32
          %lt3A_107 = arith.constant 7812 : i32
          %lt3A_108 = arith.cmpi slt, %squeeze3A_32, %lt3A_107 : i32
          %convert_element_type3A_109 = arith.extui %lt3A_108 : i1 to i32
          %cond3A_110 = arith.constant 0 : i32
          %cond3A_111 = arith.cmpi ne, %convert_element_type3A_109, %cond3A_110 : i32
          scf.if %cond3A_111 {
            %mul3A_117 = arith.constant 128 : i32
            %mul3A_118 = arith.muli %squeeze3A_32, %mul3A_117 : i32
            %dma_start3A_119 = arith.constant 0 : i32
            %dma_start3A_120 = arith.constant 0 : i32
            %dma_start3A_121 = tpu.memref_slice %arg11[%sub3A_106, %dma_start3A_119, %dma_start3A_120] : memref<2x64x128xf32, #tpu.memory_space<vmem>> -> memref<1x64x128xf32, #tpu.memory_space<vmem>>
            %dma_start3A_122 = tpu.memref_squeeze %dma_start3A_121 : memref<1x64x128xf32, #tpu.memory_space<vmem>> -> memref<64x128xf32, #tpu.memory_space<vmem>>
            %dma_start3A_123 = arith.constant 0 : i32
            %dma_start3A_124 = tpu.memref_slice %arg2[%dma_start3A_123, %mul3A_118] : memref<64x1000000xf32, #tpu.memory_space<hbm>> -> memref<64x128xf32, #tpu.memory_space<hbm>>
            %dma_start3A_125 = arith.constant 0 : i32
            %dma_start3A_126 = arith.constant 0 : i32
            %dma_start3A_127 = tpu.memref_slice %arg11[%sub3A_106, %dma_start3A_125, %dma_start3A_126] : memref<2x64x128xf32, #tpu.memory_space<vmem>> -> memref<1x64x128xf32, #tpu.memory_space<vmem>>
            %dma_start3A_128 = tpu.memref_squeeze %dma_start3A_127 : memref<1x64x128xf32, #tpu.memory_space<vmem>> -> memref<64x128xf32, #tpu.memory_space<vmem>>
            %dma_start3A_129 = arith.constant 0 : i32
            %dma_start3A_130 = tpu.memref_slice %arg2[%dma_start3A_129, %mul3A_118] : memref<64x1000000xf32, #tpu.memory_space<hbm>> -> memref<64x128xf32, #tpu.memory_space<hbm>>
            tpu.enqueue_dma source(%dma_start3A_130 : memref<64x128xf32, #tpu.memory_space<hbm>>) target(%dma_start3A_128 : memref<64x128xf32, #tpu.memory_space<vmem>>) target_semaphore(%arg13 : memref<!tpu.dma_semaphore, #tpu.memory_space<semaphore_mem>>)
          } else {
          }
          %ge3A_112 = arith.constant 7812 : i32
          %ge3A_113 = arith.cmpi sge, %squeeze3A_32, %ge3A_112 : i32
          %convert_element_type3A_114 = arith.extui %ge3A_113 : i1 to i32
          %cond3A_115 = arith.constant 0 : i32
          %cond3A_116 = arith.cmpi ne, %convert_element_type3A_114, %cond3A_115 : i32
          scf.if %cond3A_116 {
            %dma_start3A_117 = arith.constant 0 : i32
            %dma_start3A_118 = arith.constant 0 : i32
            %dma_start3A_119 = tpu.memref_slice %arg11[%sub3A_106, %dma_start3A_117, %dma_start3A_118] : memref<2x64x128xf32, #tpu.memory_space<vmem>> -> memref<1x64x128xf32, #tpu.memory_space<vmem>>
            %dma_start3A_120 = tpu.memref_squeeze %dma_start3A_119 : memref<1x64x128xf32, #tpu.memory_space<vmem>> -> memref<64x128xf32, #tpu.memory_space<vmem>>
            %dma_start3A_121 = arith.constant 0 : i32
            %dma_start3A_122 = arith.constant 0 : i32
            %dma_start3A_123 = tpu.memref_slice %arg11[%sub3A_106, %dma_start3A_121, %dma_start3A_122] : memref<2x64x128xf32, #tpu.memory_space<vmem>> -> memref<1x64x128xf32, #tpu.memory_space<vmem>>
            %dma_start3A_124 = tpu.memref_squeeze %dma_start3A_123 : memref<1x64x128xf32, #tpu.memory_space<vmem>> -> memref<64x128xf32, #tpu.memory_space<vmem>>
            tpu.enqueue_dma source(%arg3 : memref<64x128xf32, #tpu.memory_space<hbm>>) target(%dma_start3A_124 : memref<64x128xf32, #tpu.memory_space<vmem>>) target_semaphore(%arg13 : memref<!tpu.dma_semaphore, #tpu.memory_space<semaphore_mem>>)
          } else {
          }
        } else {
        }
      } else {
      }
      %and3A = arith.constant 127 : i32
      %and3A_38 = vector.broadcast %and3A : i32 to vector<16xi32>
      %and3A_39 = arith.andi %gather3A_29, %and3A_38 : vector<16xi32>
      %broadcast_in_dim3A_40 = vector.broadcast %select_n3A : i32 to vector<16xi32>
      %iota3A = tpu.iota {dimensions = array<i32: 0>} : vector<16xi32>
      %add3A_41 = arith.constant 0 : i32
      %add3A_42 = vector.broadcast %add3A_41 : i32 to vector<16xi32>
      %add3A_43 = arith.addi %iota3A, %add3A_42 : vector<16xi32>
      %gather3A_44 = tpu.vector_load_idx %arg11[%broadcast_in_dim3A_40, %add3A_43, %and3A_39] : memref<2x64x128xf32, #tpu.memory_space<vmem>>[vector<16xi32>, vector<16xi32>, vector<16xi32>], vector<16xf32>,
      %mul3A_45 = arith.constant 64 : i32
      %mul3A_46 = arith.muli %add3A_27, %mul3A_45 : i32
      %add3A_47 = arith.constant 0 : i32
      %add3A_48 = arith.addi %mul3A_46, %add3A_47 : i32
      %swap3A = arith.index_cast %add3A_48 : i32 to index
      %swap3A_49 = tpu.vector_load %arg12[%swap3A] {strides = array<i32>} : memref<32768xf32, #tpu.memory_space<vmem>>, vector<16xf32>,
      tpu.vector_store %arg12[%swap3A], %gather3A_44 {strides = array<i32>} : memref<32768xf32, #tpu.memory_space<vmem>>, vector<16xf32>,
      %iota3A_50 = tpu.iota {dimensions = array<i32: 0>} : vector<16xi32>
      %add3A_51 = arith.constant 16 : i32
      %add3A_52 = vector.broadcast %add3A_51 : i32 to vector<16xi32>
      %add3A_53 = arith.addi %iota3A_50, %add3A_52 : vector<16xi32>
      %gather3A_54 = tpu.vector_load_idx %arg11[%broadcast_in_dim3A_40, %add3A_53, %and3A_39] : memref<2x64x128xf32, #tpu.memory_space<vmem>>[vector<16xi32>, vector<16xi32>, vector<16xi32>], vector<16xf32>,
      %mul3A_55 = arith.constant 64 : i32
      %mul3A_56 = arith.muli %add3A_27, %mul3A_55 : i32
      %add3A_57 = arith.constant 16 : i32
      %add3A_58 = arith.addi %mul3A_56, %add3A_57 : i32
      %swap3A_59 = arith.index_cast %add3A_58 : i32 to index
      %swap3A_60 = tpu.vector_load %arg12[%swap3A_59] {strides = array<i32>} : memref<32768xf32, #tpu.memory_space<vmem>>, vector<16xf32>,
      tpu.vector_store %arg12[%swap3A_59], %gather3A_54 {strides = array<i32>} : memref<32768xf32, #tpu.memory_space<vmem>>, vector<16xf32>,
      %iota3A_61 = tpu.iota {dimensions = array<i32: 0>} : vector<16xi32>
      %add3A_62 = arith.constant 32 : i32
      %add3A_63 = vector.broadcast %add3A_62 : i32 to vector<16xi32>
      %add3A_64 = arith.addi %iota3A_61, %add3A_63 : vector<16xi32>
      %gather3A_65 = tpu.vector_load_idx %arg11[%broadcast_in_dim3A_40, %add3A_64, %and3A_39] : memref<2x64x128xf32, #tpu.memory_space<vmem>>[vector<16xi32>, vector<16xi32>, vector<16xi32>], vector<16xf32>,
      %mul3A_66 = arith.constant 64 : i32
      %mul3A_67 = arith.muli %add3A_27, %mul3A_66 : i32
      %add3A_68 = arith.constant 32 : i32
      %add3A_69 = arith.addi %mul3A_67, %add3A_68 : i32
      %swap3A_70 = arith.index_cast %add3A_69 : i32 to index
      %swap3A_71 = tpu.vector_load %arg12[%swap3A_70] {strides = array<i32>} : memref<32768xf32, #tpu.memory_space<vmem>>, vector<16xf32>,
      tpu.vector_store %arg12[%swap3A_70], %gather3A_65 {strides = array<i32>} : memref<32768xf32, #tpu.memory_space<vmem>>, vector<16xf32>,
      %iota3A_72 = tpu.iota {dimensions = array<i32: 0>} : vector<16xi32>
      %add3A_73 = arith.constant 48 : i32
      %add3A_74 = vector.broadcast %add3A_73 : i32 to vector<16xi32>
      %add3A_75 = arith.addi %iota3A_72, %add3A_74 : vector<16xi32>
      %gather3A_76 = tpu.vector_load_idx %arg11[%broadcast_in_dim3A_40, %add3A_75, %and3A_39] : memref<2x64x128xf32, #tpu.memory_space<vmem>>[vector<16xi32>, vector<16xi32>, vector<16xi32>], vector<16xf32>,
      %mul3A_77 = arith.constant 64 : i32
      %mul3A_78 = arith.muli %add3A_27, %mul3A_77 : i32
      %add3A_79 = arith.constant 48 : i32
      %add3A_80 = arith.addi %mul3A_78, %add3A_79 : i32
      %swap3A_81 = arith.index_cast %add3A_80 : i32 to index
      %swap3A_82 = tpu.vector_load %arg12[%swap3A_81] {strides = array<i32>} : memref<32768xf32, #tpu.memory_space<vmem>>, vector<16xf32>,
      tpu.vector_store %arg12[%swap3A_81], %gather3A_76 {strides = array<i32>} : memref<32768xf32, #tpu.memory_space<vmem>>, vector<16xf32>,
      %gather3A_83 = tpu.vector_load_idx %arg10[%broadcast_in_dim3A_28] : memref<512xi32, #tpu.memory_space<vmem>>[vector<16xi32>], vector<16xi32>,
      %slice3A_84 = vector.extract_strided_slice %gather3A_83 {offsets = [0], sizes = [1], strides = [1]} : vector<16xi32> to vector<1xi32>
      %squeeze3A_85 = vector.extract %slice3A_84[0] : i32 from vector<1xi32>
      %mul3A_86 = arith.constant 64 : i32
      %mul3A_87 = arith.muli %add3A_27, %mul3A_86 : i32
      %mul3A_88 = arith.constant 64 : i32
      %mul3A_89 = arith.muli %squeeze3A_85, %mul3A_88 : i32
      %dma_start3A = tpu.memref_slice %arg12[%mul3A_87] : memref<32768xf32, #tpu.memory_space<vmem>> -> memref<64xf32, #tpu.memory_space<vmem>>
      %dma_start3A_90 = tpu.memref_slice %arg7[%mul3A_89] : memref<1048576xf32, #tpu.memory_space<hbm>> -> memref<64xf32, #tpu.memory_space<hbm>>
      %dma_start3A_91 = tpu.memref_slice %arg7[%mul3A_89] : memref<1048576xf32, #tpu.memory_space<hbm>> -> memref<64xf32, #tpu.memory_space<hbm>>
      %dma_start3A_92 = tpu.memref_slice %arg12[%mul3A_87] : memref<32768xf32, #tpu.memory_space<vmem>> -> memref<64xf32, #tpu.memory_space<vmem>>
      tpu.enqueue_dma source(%dma_start3A_92 : memref<64xf32, #tpu.memory_space<vmem>>) target(%dma_start3A_91 : memref<64xf32, #tpu.memory_space<hbm>>) target_semaphore(%arg14 : memref<!tpu.dma_semaphore, #tpu.memory_space<semaphore_mem>>)
      scf.yield %select_n3A : i32
    }
    %scan3A_16 = arith.constant 512 : i32
    %scan3A_17 = arith.constant 0 : i32
    %scan3A_18 = arith.constant 512 : i32
    %scan3A_19 = arith.addi %scan3A_17, %scan3A_18 : i32
    %scan3A_20 = arith.constant 1 : i32
    scf.for %scan3A_22 = %scan3A_17 to %scan3A_19 step %scan3A_20  : i32 {
      %mul3A_23 = arith.constant 1 : i32
      %mul3A_24 = arith.muli %scan3A_22, %mul3A_23 : i32
      %add3A_25 = arith.constant 0 : i32
      %add3A_26 = arith.addi %add3A_25, %mul3A_24 : i32
      %dma_wait3A = arith.constant 0 : i32
      %dma_wait3A_27 = tpu.memref_slice %arg12[%dma_wait3A] : memref<32768xf32, #tpu.memory_space<vmem>> -> memref<64xf32, #tpu.memory_space<vmem>>
      %dma_wait3A_28 = arith.constant 0 : i32
      %dma_wait3A_29 = tpu.memref_slice %arg7[%dma_wait3A_28] : memref<1048576xf32, #tpu.memory_space<hbm>> -> memref<64xf32, #tpu.memory_space<hbm>>
      %dma_wait3A_30 = arith.constant 0 : i32
      %dma_wait3A_31 = tpu.memref_slice %arg12[%dma_wait3A_30] : memref<32768xf32, #tpu.memory_space<vmem>> -> memref<64xf32, #tpu.memory_space<vmem>>
      %dma_wait3A_32 = arith.constant 0 : i32
      %dma_wait3A_33 = tpu.memref_slice %arg7[%dma_wait3A_32] : memref<1048576xf32, #tpu.memory_space<hbm>> -> memref<64xf32, #tpu.memory_space<hbm>>
      tpu.wait_dma2 semaphore(%arg14 : memref<!tpu.dma_semaphore, #tpu.memory_space<semaphore_mem>>) src(%dma_wait3A_33 : memref<64xf32, #tpu.memory_space<hbm>>) dst(%dma_wait3A_31 : memref<64xf32, #tpu.memory_space<vmem>>)
    }
    %scan3A_21 = arith.constant 512 : i32
    return
  }
}

module attributes {stable_mosaic.version = 14 : i64} {
  func.func @_combine_body(%arg0: i32, %arg1: memref<1024x64xf32, #tpu.memory_space<vmem>>, %arg2: memref<1024x64xf32, #tpu.memory_space<vmem>>, %arg3: memref<1024x64xf32, #tpu.memory_space<vmem>>, %arg4: memref<64x64xf32, #tpu.memory_space<vmem>>, %arg5: memref<1x64xf32, #tpu.memory_space<vmem>>, %arg6: memref<192x64xf32, #tpu.memory_space<vmem>>, %arg7: memref<1x64xf32, #tpu.memory_space<vmem>>, %arg8: memref<1024x64xf32, #tpu.memory_space<vmem>>) attributes {dimension_semantics = [#tpu.dimension_semantics<arbitrary>], iteration_bounds = array<i64: 16>, scalar_prefetch = 0 : i64, scratch_operands = 0 : i64, tpu.core_type = #tpu.core_type<tc>, window_params = [{transform_indices = @transform_0, window_bounds = array<i64: 1024, 64>}, {transform_indices = @transform_1, window_bounds = array<i64: 1024, 64>}, {transform_indices = @transform_2, window_bounds = array<i64: 1024, 64>}, {pipeline_mode = #tpu.pipeline_mode<synchronous>, transform_indices = @transform_3, window_bounds = array<i64: 64, 64>}, {pipeline_mode = #tpu.pipeline_mode<synchronous>, transform_indices = @transform_4, window_bounds = array<i64: 1, 64>}, {pipeline_mode = #tpu.pipeline_mode<synchronous>, transform_indices = @transform_5, window_bounds = array<i64: 192, 64>}, {pipeline_mode = #tpu.pipeline_mode<synchronous>, transform_indices = @transform_6, window_bounds = array<i64: 1, 64>}, {transform_indices = @transform_7, window_bounds = array<i64: 1024, 64>}]} {
    %get3A = arith.constant 0 : index
    %get3A_0 = arith.constant 0 : index
    %get3A_1 = vector.load %arg3[%get3A, %get3A_0] : memref<1024x64xf32, #tpu.memory_space<vmem>>, vector<1024x64xf32>
    %get3A_2 = arith.constant 0 : index
    %get3A_3 = arith.constant 0 : index
    %get3A_4 = vector.load %arg4[%get3A_2, %get3A_3] : memref<64x64xf32, #tpu.memory_space<vmem>>, vector<64x64xf32>
    %dot_general3A = arith.constant dense<0.000000e+00> : vector<1024x64xf32>
    %dot_general3A_5 = tpu.matmul %get3A_1, %get3A_4, %dot_general3A {dimension_numbers = #tpu.dot_dimension_numbers<[1], [0], [0], [1], [0, 0, 1, 1], [], []>, transpose_lhs_hint = false} : vector<1024x64xf32>, vector<64x64xf32>, vector<1024x64xf32> -> vector<1024x64xf32>
    %get3A_6 = arith.constant 0 : index
    %get3A_7 = arith.constant 0 : index
    %get3A_8 = vector.load %arg5[%get3A_6, %get3A_7] : memref<1x64xf32, #tpu.memory_space<vmem>>, vector<1x64xf32>
    %add3A = vector.broadcast %get3A_8 : vector<1x64xf32> to vector<1024x64xf32>
    %add3A_9 = arith.addf %dot_general3A_5, %add3A : vector<1024x64xf32>
    %mul3A = arith.constant 5.000000e-01 : f32
    %mul3A_10 = vector.broadcast %mul3A : f32 to vector<1024x64xf32>
    %mul3A_11 = arith.mulf %mul3A_10, %add3A_9 : vector<1024x64xf32>
    %mul3A_12 = arith.constant 0.707106769 : f32
    %mul3A_13 = vector.broadcast %mul3A_12 : f32 to vector<1024x64xf32>
    %mul3A_14 = arith.mulf %add3A_9, %mul3A_13 : vector<1024x64xf32>
    %erf3A = math.erf %mul3A_14 : vector<1024x64xf32>
    %add3A_15 = arith.constant 1.000000e+00 : f32
    %add3A_16 = vector.broadcast %add3A_15 : f32 to vector<1024x64xf32>
    %add3A_17 = arith.addf %add3A_16, %erf3A : vector<1024x64xf32>
    %mul3A_18 = arith.mulf %mul3A_11, %add3A_17 : vector<1024x64xf32>
    %get3A_19 = arith.constant 0 : index
    %get3A_20 = arith.constant 0 : index
    %get3A_21 = vector.load %arg1[%get3A_19, %get3A_20] : memref<1024x64xf32, #tpu.memory_space<vmem>>, vector<1024x64xf32>
    %get3A_22 = arith.constant 0 : index
    %get3A_23 = arith.constant 0 : index
    %get3A_24 = vector.load %arg2[%get3A_22, %get3A_23] : memref<1024x64xf32, #tpu.memory_space<vmem>>, vector<1024x64xf32>
    %concatenate3A = tpu.concatenate %get3A_21, %get3A_24, %mul3A_18 in 1 : vector<1024x64xf32>, vector<1024x64xf32>, vector<1024x64xf32> -> vector<1024x192xf32>
    %get3A_25 = arith.constant 0 : index
    %get3A_26 = arith.constant 0 : index
    %get3A_27 = vector.load %arg6[%get3A_25, %get3A_26] : memref<192x64xf32, #tpu.memory_space<vmem>>, vector<192x64xf32>
    %dot_general3A_28 = arith.constant dense<0.000000e+00> : vector<1024x64xf32>
    %dot_general3A_29 = tpu.matmul %concatenate3A, %get3A_27, %dot_general3A_28 {dimension_numbers = #tpu.dot_dimension_numbers<[1], [0], [0], [1], [0, 0, 1, 1], [], []>, transpose_lhs_hint = false} : vector<1024x192xf32>, vector<192x64xf32>, vector<1024x64xf32> -> vector<1024x64xf32>
    %get3A_30 = arith.constant 0 : index
    %get3A_31 = arith.constant 0 : index
    %get3A_32 = vector.load %arg7[%get3A_30, %get3A_31] : memref<1x64xf32, #tpu.memory_space<vmem>>, vector<1x64xf32>
    %add3A_33 = vector.broadcast %get3A_32 : vector<1x64xf32> to vector<1024x64xf32>
    %add3A_34 = arith.addf %dot_general3A_29, %add3A_33 : vector<1024x64xf32>
    %mul3A_35 = arith.constant 5.000000e-01 : f32
    %mul3A_36 = vector.broadcast %mul3A_35 : f32 to vector<1024x64xf32>
    %mul3A_37 = arith.mulf %mul3A_36, %add3A_34 : vector<1024x64xf32>
    %mul3A_38 = arith.constant 0.707106769 : f32
    %mul3A_39 = vector.broadcast %mul3A_38 : f32 to vector<1024x64xf32>
    %mul3A_40 = arith.mulf %add3A_34, %mul3A_39 : vector<1024x64xf32>
    %erf3A_41 = math.erf %mul3A_40 : vector<1024x64xf32>
    %add3A_42 = arith.constant 1.000000e+00 : f32
    %add3A_43 = vector.broadcast %add3A_42 : f32 to vector<1024x64xf32>
    %add3A_44 = arith.addf %add3A_43, %erf3A_41 : vector<1024x64xf32>
    %mul3A_45 = arith.mulf %mul3A_37, %add3A_44 : vector<1024x64xf32>
    %swap3A = arith.constant 0 : index
    %swap3A_46 = arith.constant 0 : index
    %swap3A_47 = vector.load %arg8[%swap3A, %swap3A_46] : memref<1024x64xf32, #tpu.memory_space<vmem>>, vector<1024x64xf32>
    tpu.vector_store %arg8[%swap3A, %swap3A_46], %mul3A_45 {strides = array<i32>} : memref<1024x64xf32, #tpu.memory_space<vmem>>, vector<1024x64xf32>,
    return
  }
  func.func @transform_0(%arg0: i32) -> (i32, i32) {
    %c0_i32 = arith.constant 0 : i32
    %c0_i32_0 = arith.constant 0 : i32
    return %arg0, %c0_i32 : i32, i32
  }
  func.func @transform_1(%arg0: i32) -> (i32, i32) {
    %c0_i32 = arith.constant 0 : i32
    %c0_i32_0 = arith.constant 0 : i32
    return %arg0, %c0_i32 : i32, i32
  }
  func.func @transform_2(%arg0: i32) -> (i32, i32) {
    %c0_i32 = arith.constant 0 : i32
    %c0_i32_0 = arith.constant 0 : i32
    return %arg0, %c0_i32 : i32, i32
  }
  func.func @transform_3(%arg0: i32) -> (i32, i32) {
    %c0_i32 = arith.constant 0 : i32
    %c0_i32_0 = arith.constant 0 : i32
    %c0_i32_1 = arith.constant 0 : i32
    return %c0_i32, %c0_i32_0 : i32, i32
  }
  func.func @transform_4(%arg0: i32) -> (i32, i32) {
    %c0_i32 = arith.constant 0 : i32
    %c0_i32_0 = arith.constant 0 : i32
    %c0_i32_1 = arith.constant 0 : i32
    return %c0_i32, %c0_i32_0 : i32, i32
  }
  func.func @transform_5(%arg0: i32) -> (i32, i32) {
    %c0_i32 = arith.constant 0 : i32
    %c0_i32_0 = arith.constant 0 : i32
    %c0_i32_1 = arith.constant 0 : i32
    return %c0_i32, %c0_i32_0 : i32, i32
  }
  func.func @transform_6(%arg0: i32) -> (i32, i32) {
    %c0_i32 = arith.constant 0 : i32
    %c0_i32_0 = arith.constant 0 : i32
    %c0_i32_1 = arith.constant 0 : i32
    return %c0_i32, %c0_i32_0 : i32, i32
  }
  func.func @transform_7(%arg0: i32) -> (i32, i32) {
    %c0_i32 = arith.constant 0 : i32
    %c0_i32_0 = arith.constant 0 : i32
    return %arg0, %c0_i32 : i32, i32
  }
}

</mosaic_0001>

<sc_bundles>
// kernel: gather_offload_async_start
scs
__scs_entry_jumppad:
0x0: {  	(pc) =	sbr.rel $0x88, $3  }
0x1: {  	(tag) =	ssettag $0x0;
	lr =	simm.s32 $0x1  }
0x2: {  	[smem:$0x3F98] =	sst lr;
	_ =	strace $0xD0000000  }
0x3: {  	_ = 	snop  }
0x4: {  	_ = 	snop  }
0x5: {  	_ = 	snop  }
0x6: {  	_ = 	snop  }
0x7: {  	_ = 	snop  }
__scs_overlays_trampoline_lowered:
0x8: {  	[smem:$0x3FA7] =	sst s0  }
0x9: {  	[smem:$0x3FA8] =	sst s1  }
0xa: {  	[smem:$0x3FA9] =	sst s2  }
0xb: {  	[smem:$0x3FAA] =	sst s3  }
0xc: {  	[smem:$0x3FAB] =	sst s4  }
0xd: {  	[smem:$0x3FAC] =	sst s5  }
0xe: {  	[smem:$0x3FAD] =	sst s6  }
0xf: {  	[smem:$0x3FAE] =	sst s7  }
0x10: {  	[smem:$0x3FAF] =	sst s8  }
0x11: {  	[smem:$0x3FB0] =	sst s9;
	s0 =	simm.s32 @!p0 $0x0  }
0x12: {  	s1 =	sld [smem:$0x3F96];
	s0 =	simm.s32 @p0 $0x1  }
0x13: {  	[smem:$0x3FB1] =	sst s0;
	s0 =	simm.s32 @!p1 $0x0  }
0x14: {  	s2 =	sld [smem:$0x3F95];
	s0 =	simm.s32 @p1 $0x1  }
0x15: {  	[smem:$0x3FB2] =	sst s0;
	s0 =	simm.s32 @!p2 $0x0  }
0x16: {  	s3 =	sld [smem:$0x3FDB];
	s0 =	simm.s32 @p2 $0x1  }
0x17: {  	s4 =	simm.s32 $0x1BF5;
	[smem:$0x3FB4] =	sst s0  }
0x18: {  	s0 =	sld [smem:$0x3F97];
	_ =	swait.ge [sflag:s4], $0x0  }
0x19: {  	s7 =	sld [smem:$0x3F98]  }
0x1a: {  	s8 =	sadd.s32 $0xFFFFE003, lr  }
0x1b: {  	s9 =	sadd.s32 $0xFFFFFEF7, lr;
	s5 =	simm.s32 $0xFFFFFFFF;
	p2 =	slt.u32 s8, $0xFFFFF086  }
0x1c: {  	p1 =	slt.u32 s9, $0xF7A;
	s5 =	simm.s32 @!p2 $0x0  }
0x1d: {  	s5 =	simm.s32 @p1 $0x1;
	p0 =	seq.s32 s7, s2  }
0x1e: {  	s7 =	smul.u32 @!p0 $0xF7A, s2;
	p2 =	seq.s32 @!p0 s5, $0x0  }
0x1f: {  	s9 =	smul.u32 $0xF7A, s1;
	s8 =	simm.s32 @!p0 $0x1BF5;
	p2 =	por !p2, p0  }
0x20: {  	[sflag:s8] =	ssyncset.s32 @!p0 $0xFFFFF086;
	s6 =	sadd.s32 @!p0 s3, s7;
	s7 =	simm.s32 @!p0 $0x108  }
0x21: {  	s3 =	sadd.s32 s3, s9;
	s6 =	sadd.s32 @!p0 $0x88, s6;
	s7 =	simm.s32 @p2 $0x1082  }
0x22: {  	[simem:s7], [sflag:s8] =	dma.local @!p0 [hbm:s6], $0xF7A  }
0x23: {  	s9 =	sor.u32 $0xD0000000, s2;
	s6 =	simm.s32 $0x108;
	_ =	swait.ge @!p0 [sflag:s8], $0x0  }
0x24: {  	s3 =	sadd.s32 $0x88, s3;
	s6 =	simm.s32 @!p1 $0x1082;
	[sflag:s4] =	ssyncset.s32 $0xFFFFF086  }
0x25: {  	[simem:s6], [sflag:s4] =	dma.local [hbm:s3], $0xF7A  }
0x26: {  	[smem:$0x3F98] =	sst s1;
	(tag) =	ssettag s2;
	_ =	strace s9  }
0x27: {  	s1 =	sld [smem:$0x3FA8]  }
0x28: {  	s2 =	sld [smem:$0x3FA9]  }
0x29: {  	s4 =	sld [smem:$0x3FAB]  }
0x2a: {  	p0 =	seq.s32 s5, $0x0;
	s5 =	sld [smem:$0x3FAC]  }
0x2b: {  	s6 =	sld [smem:$0x3FAD]  }
0x2c: {  	s7 =	sld [smem:$0x3FAE]  }
0x2d: {  	s3 =	simm.s32 $0x108;
	s8 =	sld [smem:$0x3FAF]  }
0x2e: {  	s3 =	simm.s32 @!p0 $0x1082;
	s9 =	sld [smem:$0x3FB0]  }
0x2f: {  	lr =	sadd.s32 s0, s3;
	s0 =	sld [smem:$0x3FA7]  }
0x30: {  	s3 =	sld [smem:$0x3FAA]  }
0x31: {  	[smem:$0x3FB3] =	sst s10  }
0x32: {  	s10 =	sld [smem:$0x3FB1];
	_ =	sdelay $0x3  }
0x33: {  	p0 =	seq.s32 s10, $0x1;
	s10 =	sld [smem:$0x3FB3];
	_ =	sdelay $0x3  }
0x34: {  	[smem:$0x3FB3] =	sst s10  }
0x35: {  	s10 =	sld [smem:$0x3FB2];
	_ =	sdelay $0x3  }
0x36: {  	p1 =	seq.s32 s10, $0x1;
	s10 =	sld [smem:$0x3FB3];
	_ =	sdelay $0x3  }
0x37: {  	[smem:$0x3FB3] =	sst s10  }
0x38: {  	s10 =	sld [smem:$0x3FB4]  }
0x39: {  	_ = 	snop;
	(pc) =	sbr.ind lr, $3  }
0x3a: {  	_ = 	snop  }
0x3b: {  	_ = 	snop  }
0x3c: {  	p2 =	seq.s32 s10, $0x1;
	s10 =	sld [smem:$0x3FB3]  }
0x3d: {  	_ =	shalt  }
0x3e: {  	_ =	shalt  }
0x3f: {  	_ =	shalt  }
0x40: {  	_ =	shalt  }
0x41: {  	_ =	shalt  }
0x42: {  	_ =	shalt  }
0x43: {  	_ =	shalt  }
0x44: {  	_ =	shalt  }
0x45: {  	_ =	shalt  }
0x46: {  	_ =	shalt  }
0x47: {  	_ =	shalt  }
0x48: {  	_ =	shalt  }
0x49: {  	_ =	shalt  }
0x4a: {  	_ =	shalt  }
0x4b: {  	_ =	shalt  }
0x4c: {  	_ =	shalt  }
0x4d: {  	_ =	shalt  }
0x4e: {  	_ =	shalt  }
0x4f: {  	_ =	shalt  }
0x50: {  	_ =	shalt  }
0x51: {  	_ =	shalt  }
0x52: {  	_ =	shalt  }
0x53: {  	_ =	shalt  }
0x54: {  	_ =	shalt  }
0x55: {  	_ =	shalt  }
0x56: {  	_ =	shalt  }
0x57: {  	_ =	shalt  }
0x58: {  	_ =	shalt  }
0x59: {  	_ =	shalt  }
0x5a: {  	_ =	shalt  }
0x5b: {  	_ =	shalt  }
0x5c: {  	_ =	shalt  }
0x5d: {  	_ =	shalt  }
0x5e: {  	_ =	shalt  }
0x5f: {  	_ =	shalt  }
0x60: {  	_ =	shalt  }
0x61: {  	_ =	shalt  }
0x62: {  	_ =	shalt  }
0x63: {  	_ =	shalt  }
0x64: {  	_ =	shalt  }
0x65: {  	_ =	shalt  }
0x66: {  	_ =	shalt  }
0x67: {  	_ =	shalt  }
0x68: {  	_ =	shalt  }
0x69: {  	_ =	shalt  }
0x6a: {  	_ =	shalt  }
0x6b: {  	_ =	shalt  }
0x6c: {  	_ =	shalt  }
0x6d: {  	_ =	shalt  }
0x6e: {  	_ =	shalt  }
0x6f: {  	_ =	shalt  }
0x70: {  	_ =	shalt  }
0x71: {  	_ =	shalt  }
0x72: {  	_ =	shalt  }
0x73: {  	_ =	shalt  }
0x74: {  	_ =	shalt  }
0x75: {  	_ =	shalt  }
0x76: {  	_ =	shalt  }
0x77: {  	_ =	shalt  }
0x78: {  	_ =	shalt  }
0x79: {  	_ =	shalt  }
0x7a: {  	_ =	shalt  }
0x7b: {  	_ =	shalt  }
0x7c: {  	_ =	shalt  }
0x7d: {  	_ =	shalt  }
0x7e: {  	_ =	shalt  }
0x7f: {  	_ =	shalt  }
0x80: {  	_ =	shalt  }
0x81: {  	_ =	shalt  }
0x82: {  	_ =	shalt  }
0x83: {  	_ =	shalt  }
0x84: {  	_ =	shalt  }
0x85: {  	_ =	shalt  }
0x86: {  	_ =	shalt  }
0x87: {  	_ =	shalt  }
.Lfunc_end0:
.L_simem_size_0:
called_computation_lowered:
.L_overlay_start_0:
0x88: {  	s2 =	sld [smem:$0x3FD9]  }
0x89: {  	s3 =	sld [smem:$0x3FFE];
	_ =	sdelay $0x1  }
0x8a: {  	s1 =	srdreg.scid  }
0x8b: {  	s0 =	sand.u32 $0x1, s1  }
0x8c: {  	s17 =	sshll.u32 s0, $0xA;
	s2 =	sadd.s32 s3, s2  }
0x8d: {  	s2 =	sadd.s32 s2, s17  }
0x8e: {  	[smem:$0x3FBF] =	sst s2  }
0x8f: {  	_ = 	snop  }
0x90: {  	s2 =	sld [smem:$0x3FC9]  }
0x91: {  	s18 =	sld [smem:$0x3FD0];
	(tm) =	ssettm $0x1  }
0x92: {  	s4 =	sld [smem:$0x3FFB];
	_ =	sdelay $0x3  }
0x93: {  	_ =	strace s4  }
0x94: {  	s4 =	sld [smem:$0x3FFC];
	_ =	sdelay $0x3  }
0x95: {  	_ =	strace s4  }
0x96: {  	s4 =	sld [smem:$0x3FFD];
	_ =	sdelay $0x3  }
0x97: {  	_ =	strace s4  }
0x98: {  	_ =	strace $0x8FFFFFFF  }
0x99: {  	s19 =	sld [smem:$0x3FDB];
	_ =	sdelay $0x1  }
0x9a: {  	s5 =	simm.s32 $_scs_section_size  }
0x9b: {  	s6 =	simm.s32 $_size__tile_overlayer_lowered;
	s7 =	simm.s32 $_tile_overlayer_lowered  }
0x9c: {  	s22 =	simm.s32 $0x1BFF;
	s21 =	sshll.u32 s7, $0x1;
	s4 =	sadd.s32 s5, s19  }
0x9d: {  	s8 =	simm.s32 $0x0;
	s20 =	sshll.u32 s6, $0x1;
	s6 =	sadd.s32 s21, s4  }
0x9e: {  	[timem:s8], [sflag:s22] =	dma.local [hbm:s6], s20  }
0x9f: {  	_ =	swait.ge [sflag:s22], s20  }
0xa0: {  	s5 =	ssub.s32 $0x0, s20;
	[sflag:s22] =	ssyncset.done $0x0  }
0xa1: {  	[sflag:s22] =	ssyncadd.s32 s5;
	_ =	sdelay $0x1  }
0xa2: {  	s23 =	simm.s32 $0x1B8B  }
0xa3: {  	_ =	swait.ge [sflag:s23], $0x1  }
0xa4: {  	[sflag:s23] =	ssyncset.done $0x0  }
0xa5: {  	s25 =	simm.s32 $0x1B8E;
	s24 =	sld [smem:$0x3FFE];
	[sflag:s23] =	ssyncadd.s32 $0xFFFFFFFF  }
0xa6: {  	s26 =	simm.s32 $execute0_lowered;
	[smem:$0x3FD2] =	sst s25  }
0xa7: {  	s6 =	sshll.u32 s26, $0x1;
	_ =	strace $0x80000046;
	[dreg:$0x1] =	wrdreg $0xFFFFFFFF  }
0xa8: {  	s28 =	simm.s32 $_size_execute0_lowered;
	s4 =	sadd.s32 s4, s6;
	[dreg:$0x0] =	wrdreg $0x0  }
0xa9: {  	s6 =	sshll.u32 s28, $0x1;
	[dreg:$0x2] =	wrdreg s4  }
0xaa: {  	[dreg:$0x3] =	wrdreg s6  }
0xab: {  	[dreg:$0x4] =	wrdreg $0xC0  }
0xac: {  	_ =	task [dreg:s8], $0x5FFFF  }
0xad: {  	[dreg:$0x1] =	wrdreg $0xFFFFFFFF  }
0xae: {  	[dreg:$0x0] =	wrdreg $0x60  }
0xaf: {  	[dreg:$0x2] =	wrdreg s2  }
0xb0: {  	[dreg:$0x3] =	wrdreg s18  }
0xb1: {  	[dreg:$0x4] =	wrdreg s24  }
0xb2: {  	[dreg:$0x5] =	wrdreg $0xA  }
0xb3: {  	_ =	task.clear_ibuf [dreg:s8], $0x6FFFF;
	_ =	strace $0x90000046  }
0xb4: {  	s29 =	simm.s32 $0xA;
	_ =	strace $0x80000048  }
0xb5: {  	_ =	swait.ge [sflag:s29], $0x1  }
0xb6: {  	[sflag:s29] =	ssyncadd.s32 $0xFFFFFFFF  }
0xb7: {  	_ =	strace $0x90000048  }
0xb8: {  	_ =	sfence  }
0xb9: {  	s30 =	sld [smem:$0x0];
	_ =	sdelay $0x2  }
0xba: {  	s31 =	sshll.u32 s1, $0xD;
	s1 =	sshrl.u32 s1, $0x2  }
0xbb: {  	s3 =	sand.u32 $0x4000, s31;
	s1 =	sadd.s32 s1, s30  }
0xbc: {  	s0 =	sor.u32 s3, s0;
	s1 =	sshll.u32 s1, $0x11  }
0xbd: {  	s0 =	sor.u32 s1, s0  }
0xbe: {  	s0 =	sadd.s32 $0x8F2B, s0  }
0xbf: {  	[sflag:s0] =	ssyncadd.remote.s32 $0x1  }
0xc0: {  	_ =	sfence.sel $0xFFFF  }
0xc1: {  	[dreg:$0x0] =	wrdreg $0xFFFFFFFF;
	(pc) =	sbr.abs _section_cstart, $3  }
0xc2: {  	[dreg:$0x1] =	wrdreg $0xFFFFFFFF  }
0xc3: {  	_ =	task.clear_ibuf [dreg:s8], $0x2FFFF;
	_ =	strace $0x9FFFFFFF  }
0xc4: {  	(tm) =	ssettm $0x7FFFFFFF  }
0xc5: {  	_ =	shalt  }
tec
execute0_lowered:
.L_overlay_start_1:
0x0: {  	(tag) =	ssettag $0x1  }
0x1: {  	s2 =	rddreg [dreg:$0x0]  }
0x2: {  	s1 =	srdreg.scid;
	s3 =	rddreg [dreg:$0x1]  }
0x3: {  	s0 =	stileid.u32;
	s5 =	rddreg [dreg:$0x2]  }
0x4: {  	s9 =	simm.s32 $0x1;
	s10 =	simm.s32 $0x3;
	s1 =	sshll.u32 s1, $0x8  }
0x5: {  	s13 =	simm.s32 $0x0;
	s4 =	sshll.u32 s0, $0x9;
	s6 =	sand.u32 $0x100, s1  }
0x6: {  	s12 =	simm.s32 $0x0;
	s5 =	sadd.s32 $0x2800, s5;
	s4 =	sor.u32 s4, s6  }
0x7: {  	s1 =	rddreg [dreg:$0x3];
	_ =	strace $0x80000047;
	s8 =	ssub.s32 $0x4000, s4  }
.Ltmp0:
0x8: {  	s6 =	simm.s32 $0x1;
	s7 =	sand.u32 $0x1F00, s8;
	(pc) =	sbr.rel .LBB2_1-.Ltmp0, $4  }
0x9: {  	[sflag:s6] =	ssyncpa.u1 $0x0;
	s11 =	smov.u32 s4;
	p0 =	sne.s32 s7, $0x0  }
0xa: {  	s8 =	sshrl.u32 s8, $0xD;
	s7 =	simm.s32 $0x2;
	s9 =	simm.s32 @!p0 $0x0  }
0xb: {  	[sflag:s7] =	ssyncpa.u1 $0x0;
	p0 =	por $0x0, $0x0;
	s8 =	sadd.s32 s9, s8  }
0xc: {  	vm0 =	vmmov $0xffff;
	[sflag:s10] =	ssyncpa.u1 $0x0;
	s10 =	simm.s32 $0x0;
	s9 =	sadd.s32 $0x1, s8  }
.LBB2_4:
0xd: {  	v2 =	vnsel vm1, $0x0, v2  }
0xe: {  	vm1 =	vgt.s32 v0, $0x0;
	v2 =	vmin.u32 v2, $0x3FFF  }
0xf: {  	v0 =	vnsel vm1, $0x0, v0  }
0x10: {  	v0 =	vmin.u32 v0, $0x3FFF  }
0x11: {  	[tilespmem:s15], [sflag:$0x1] =	stream.indirect_vreg.gather [hbm4b:s2+s10], $0x1, v1, vm0, $0x4038;
	[tilespmem:$0x400] =	vst v63  }
0x12: {  	(ifvalue) =	ssetifvalue $0x7FFFFFFF  }
0x13: {  	[tilespmem:s16], [sflag:$0x1] =	stream.indirect_vreg.gather [hbm4b:s2+s10], $0x1, v2, vm0, $0x4038;
	[tilespmem:$0x400] =	vst v63  }
0x14: {  	s29 =	sadd.s32 $0x10, s16;
	(ifvalue) =	ssetifvalue $0x7FFFFFFF  }
0x15: {  	[tilespmem:s29], [sflag:$0x1] =	stream.indirect_vreg.gather [hbm4b:s2+s10], $0x1, v0, vm0, $0x4038;
	[tilespmem:$0x400] =	vst v63  }
0x16: {  	_ =	swait.ge [sflag:s6], $0x100  }
0x17: {  	s30 =	sshrl.u32 s13, $0x3;
	[sflag:s6] =	ssyncset.done $0x0  }
0x18: {  	s31 =	sand.u32 $0x7, s13;
	s15 =	sadd.s32 s5, s30;
	[sflag:s6] =	ssyncadd.s32 $0xFFFFFF00  }
0x19: {  	[hbm4b:s15+s31] =	stream.linear.scatter [tilespmem:s14], [sflag:$0x3], $0x100, $0x38;
	[tilespmem:$0x400] =	vst v63  }
.LBB2_5:
0x1a: {  	s15 =	sadd.s32 $0x2000, s11  }
0x1b: {  	p2 =	sgt.s32 s15, $0x3FFF  }
0x1c: {  	s15 =	smov.u32 @p2 s4;
	p2 =	sne.s32 s12, s9  }
.Ltmp1:
0x1d: {  	p1 =	slt.u32 s12, $0x2;
	(pc) =	sbr.rel @!p2 .LBB2_6-.Ltmp1, $4  }
0x1e: {  	s14 =	simm.s32 @!p1 $0x3  }
0x1f: {  	s16 =	sadd.s32 $0x1, s12;
	_ =	swait.ge @!p1 [sflag:s14], $0x100  }
0x20: {  	s13 =	smov.u32 s11;
	p0 =	por !p0, !p0;
	[sflag:s14] =	ssyncset.done @!p1 $0x0  }
0x21: {  	s12 =	smov.u32 s16;
	s11 =	smov.u32 s15;
	[sflag:s14] =	ssyncadd.s32 @!p1 $0xFFFFFF00  }
.LBB2_1:
0x22: {  	p1 =	sge.u32 s12, s8  }
0x23: {  	s14 =	sxor.u32 @!p1 $0xFFFFFFFF, s12  }
0x24: {  	s31 =	sadd.s32 $0xFFFFFFFF, s12;
	s15 =	sshrl.u32 @!p1 s11, $0x3;
	s14 =	sshll.u32 @!p1 s14, $0x8  }
0x25: {  	s16 =	sand.u32 @!p1 $0x7, s11;
	s15 =	sadd.s32 @!p1 s3, s15;
	s14 =	sand.u32 @!p1 $0x100, s14  }
0x26: {  	[tilespmem:s14], [sflag:$0x2] =	stream.linear.gather @!p1 [hbm4b:s15+s16], $0x100, $0x38;
	[tilespmem:$0x400] =	vst v63  }
0x27: {  	p1 =	sge.u32 s31, s8  }
.Ltmp2:
0x28: {  	_ = 	snop;
	(pc) =	sbr.rel @p1 .LBB2_5-.Ltmp2, $1  }
0x29: {  	_ =	sdelay $0x3  }
0x2a: {  	s14 =	simm.s32 $0x1  }
0x2b: {  	_ =	swait.ge [sflag:s7], $0x100;
	s14 =	simm.s32 @!p0 $0x0  }
0x2c: {  	[sflag:s7] =	ssyncset.done $0x0;
	s14 =	sshll.u32 s14, $0x8  }
0x2d: {  	[sflag:s7] =	ssyncadd.s32 $0xFFFFFF00;
	(ifvalue) =	ssetifvalue $0x7FFFFFFF;
	v0 =	vld.msk [tilespmem:s14+$0x0 ss:$0x1], $0xffff;
	_ =	sdelay $0x4  }
0x2e: {  	s15 =	sadd.s32 $0x10, s14;
	vm1 =	vgt.s32 v0, $0x0  }
0x2f: {  	v2 =	vld.msk [tilespmem:s15+$0x0 ss:$0x1], $0xffff;
	v1 =	vnsel vm1, $0x0, v0  }
0x30: {  	v1 =	vmin.u32 v1, $0x3FFF;
	_ =	sdelay $0x1  }
0x31: {  	s16 =	sshll.u32 s12, $0x8;
	s18 =	simm.s32 $0x20  }
0x32: {  	s16 =	sand.u32 $0x100, s16;
	s17 =	sadd.s32 $0x10, s15;
	s15 =	sor.u32 $0x200, s14  }
0x33: {  	s14 =	sor.u32 $0x200, s16;
	s16 =	sadd.s32 $0x10, s15;
	v0 =	vld.msk [tilespmem:s17+$0x0 ss:$0x1], $0xffff;
	vm1 =	vgt.s32 v2, $0x0;
	(ifvalue) =	ssetifvalue $0x7FFFFFFF  }
.LBB2_3:
0x34: {  	[tilespmem:s15], [sflag:$0x1] =	stream.indirect_vreg.gather [hbm4b:s2+s10], $0x1, v1, vm0, $0x4038;
	[tilespmem:$0x400] =	vst v63  }
0x35: {  	s18 =	sadd.s32 $0x10, s18  }
0x36: {  	v2 =	vnsel vm1, $0x0, v2;
	p1 =	slt.u32 s18, $0xF0  }
.Ltmp3:
0x37: {  	s15 =	smov.u32 s16;
	v1 =	vmin.u32 v2, $0x3FFF;
	(pc) =	sbr.rel @p1 .LBB2_3-.Ltmp3, $3  }
0x38: {  	_ =	sdelay $0x1  }
0x39: {  	s17 =	sadd.s32 $0x10, s17  }
0x3a: {  	vm1 =	vgt.s32 v0, $0x0;
	s16 =	sadd.s32 $0x10, s16;
	v2 =	vmov v0;
	(ifvalue) =	ssetifvalue $0x7FFFFFFF;
	v0 =	vld.msk [tilespmem:s17+$0x0 ss:$0x1], $0xffff  }
.Ltmp4:
0x3b: {  	_ = 	snop;
	(pc) =	sbr.rel .LBB2_4-.Ltmp4, $1  }
0x3c: {  	_ =	sdelay $0x3  }
.LBB2_6:
0x3d: {  	_ =	sfence.sel $0x180000  }
0x3e: {  	s2 =	simm.s32 $0x2;
	[bflag:$0x0] =	sbarrier.arrive $0xFFFF  }
0x3f: {  	s30 =	simm.s32 $0x3;
	[sflag:s2] =	ssyncpa.u1 $0x1  }
0x40: {  	s31 =	simm.s32 $0x1;
	[sflag:s30] =	ssyncpa.u1 $0x1  }
0x41: {  	[sflag:s31] =	ssyncpa.u1 $0x1  }
0x42: {  	p0 =	sne.s32 s0, $0x0;
	_ =	strace $0x90000047  }
0x43: {  	s0 =	sadd.s32 @!p0 $0x100000, s1;
	[bflag:$0x2] =	sbarrier.arrive $0xFFFF  }
0x44: {  	[sflag:s0] =	ssyncadd.tile.s32 @!p0 $0x1;
	_ =	shalt  }
.Lfunc_end2:
_tile_overlayer_lowered:
.L_overlay_start_2:
0x45: {  	(tag) =	ssettag $0x2  }
0x46: {  	s0 =	rddreg [dreg:$0x0];
	s2 =	stileid.u32  }
0x47: {  	s1 =	rddreg [dreg:$0x1];
	p0 =	sne.s32 s2, $0x0  }
0x48: {  	s3 =	rddreg [dreg:$0x2];
	[bflag:$0x3] =	sbarrier.arrive $0xFFFF;
	s2 =	simm.s32 @!p0 $0x1C01  }
0x49: {  	[timem:s3], [sflag:s2] =	dma.local @!p0 [hbm:s0], s1  }
0x4a: {  	s0 =	simm.s32 @!p0 $0x1  }
0x4b: {  	_ =	swait.ge @!p0 [sflag:s0], s1  }
0x4c: {  	s1 =	ssub.s32 @!p0 $0x0, s1;
	[sflag:s0] =	ssyncset.done @!p0 $0x0  }
0x4d: {  	[sflag:s0] =	ssyncadd.s32 @!p0 s1  }
0x4e: {  	[bflag:$0x3] =	sbarrier.arrive $0xFFFF  }
0x4f: {  	_ =	shalt  }

// kernel: kernel.5.cloned.1.call-start
scs
__scs_entry_jumppad:
0x0: {  	(pc) =	sbr.rel $0x88, $3  }
0x1: {  	(tag) =	ssettag $0x0;
	lr =	simm.s32 $0x1  }
0x2: {  	[smem:$0x3F98] =	sst lr;
	_ =	strace $0xD0000000  }
0x3: {  	_ = 	snop  }
0x4: {  	_ = 	snop  }
0x5: {  	_ = 	snop  }
0x6: {  	_ = 	snop  }
0x7: {  	_ = 	snop  }
__scs_overlays_trampoline_lowered:
0x8: {  	[smem:$0x3FA7] =	sst s0  }
0x9: {  	[smem:$0x3FA8] =	sst s1  }
0xa: {  	[smem:$0x3FA9] =	sst s2  }
0xb: {  	[smem:$0x3FAA] =	sst s3  }
0xc: {  	[smem:$0x3FAB] =	sst s4  }
0xd: {  	[smem:$0x3FAC] =	sst s5  }
0xe: {  	[smem:$0x3FAD] =	sst s6  }
0xf: {  	[smem:$0x3FAE] =	sst s7  }
0x10: {  	[smem:$0x3FAF] =	sst s8  }
0x11: {  	[smem:$0x3FB0] =	sst s9;
	s0 =	simm.s32 @!p0 $0x0  }
0x12: {  	s1 =	sld [smem:$0x3F96];
	s0 =	simm.s32 @p0 $0x1  }
0x13: {  	[smem:$0x3FB1] =	sst s0;
	s0 =	simm.s32 @!p1 $0x0  }
0x14: {  	s2 =	sld [smem:$0x3F95];
	s0 =	simm.s32 @p1 $0x1  }
0x15: {  	[smem:$0x3FB2] =	sst s0;
	s0 =	simm.s32 @!p2 $0x0  }
0x16: {  	s3 =	sld [smem:$0x3FDB];
	s0 =	simm.s32 @p2 $0x1  }
0x17: {  	s4 =	simm.s32 $0x1BF5;
	[smem:$0x3FB4] =	sst s0  }
0x18: {  	s0 =	sld [smem:$0x3F97];
	_ =	swait.ge [sflag:s4], $0x0  }
0x19: {  	s7 =	sld [smem:$0x3F98]  }
0x1a: {  	s8 =	sadd.s32 $0xFFFFE003, lr  }
0x1b: {  	s9 =	sadd.s32 $0xFFFFFEF7, lr;
	s5 =	simm.s32 $0xFFFFFFFF;
	p2 =	slt.u32 s8, $0xFFFFF086  }
0x1c: {  	p1 =	slt.u32 s9, $0xF7A;
	s5 =	simm.s32 @!p2 $0x0  }
0x1d: {  	s5 =	simm.s32 @p1 $0x1;
	p0 =	seq.s32 s7, s2  }
0x1e: {  	s7 =	smul.u32 @!p0 $0xF7A, s2;
	p2 =	seq.s32 @!p0 s5, $0x0  }
0x1f: {  	s9 =	smul.u32 $0xF7A, s1;
	s8 =	simm.s32 @!p0 $0x1BF5;
	p2 =	por !p2, p0  }
0x20: {  	[sflag:s8] =	ssyncset.s32 @!p0 $0xFFFFF086;
	s6 =	sadd.s32 @!p0 s3, s7;
	s7 =	simm.s32 @!p0 $0x108  }
0x21: {  	s3 =	sadd.s32 s3, s9;
	s6 =	sadd.s32 @!p0 $0x88, s6;
	s7 =	simm.s32 @p2 $0x1082  }
0x22: {  	[simem:s7], [sflag:s8] =	dma.local @!p0 [hbm:s6], $0xF7A  }
0x23: {  	s9 =	sor.u32 $0xD0000000, s2;
	s6 =	simm.s32 $0x108;
	_ =	swait.ge @!p0 [sflag:s8], $0x0  }
0x24: {  	s3 =	sadd.s32 $0x88, s3;
	s6 =	simm.s32 @!p1 $0x1082;
	[sflag:s4] =	ssyncset.s32 $0xFFFFF086  }
0x25: {  	[simem:s6], [sflag:s4] =	dma.local [hbm:s3], $0xF7A  }
0x26: {  	[smem:$0x3F98] =	sst s1;
	(tag) =	ssettag s2;
	_ =	strace s9  }
0x27: {  	s1 =	sld [smem:$0x3FA8]  }
0x28: {  	s2 =	sld [smem:$0x3FA9]  }
0x29: {  	s4 =	sld [smem:$0x3FAB]  }
0x2a: {  	p0 =	seq.s32 s5, $0x0;
	s5 =	sld [smem:$0x3FAC]  }
0x2b: {  	s6 =	sld [smem:$0x3FAD]  }
0x2c: {  	s7 =	sld [smem:$0x3FAE]  }
0x2d: {  	s3 =	simm.s32 $0x108;
	s8 =	sld [smem:$0x3FAF]  }
0x2e: {  	s3 =	simm.s32 @!p0 $0x1082;
	s9 =	sld [smem:$0x3FB0]  }
0x2f: {  	lr =	sadd.s32 s0, s3;
	s0 =	sld [smem:$0x3FA7]  }
0x30: {  	s3 =	sld [smem:$0x3FAA]  }
0x31: {  	[smem:$0x3FB3] =	sst s10  }
0x32: {  	s10 =	sld [smem:$0x3FB1];
	_ =	sdelay $0x3  }
0x33: {  	p0 =	seq.s32 s10, $0x1;
	s10 =	sld [smem:$0x3FB3];
	_ =	sdelay $0x3  }
0x34: {  	[smem:$0x3FB3] =	sst s10  }
0x35: {  	s10 =	sld [smem:$0x3FB2];
	_ =	sdelay $0x3  }
0x36: {  	p1 =	seq.s32 s10, $0x1;
	s10 =	sld [smem:$0x3FB3];
	_ =	sdelay $0x3  }
0x37: {  	[smem:$0x3FB3] =	sst s10  }
0x38: {  	s10 =	sld [smem:$0x3FB4]  }
0x39: {  	_ = 	snop;
	(pc) =	sbr.ind lr, $3  }
0x3a: {  	_ = 	snop  }
0x3b: {  	_ = 	snop  }
0x3c: {  	p2 =	seq.s32 s10, $0x1;
	s10 =	sld [smem:$0x3FB3]  }
0x3d: {  	_ =	shalt  }
0x3e: {  	_ =	shalt  }
0x3f: {  	_ =	shalt  }
0x40: {  	_ =	shalt  }
0x41: {  	_ =	shalt  }
0x42: {  	_ =	shalt  }
0x43: {  	_ =	shalt  }
0x44: {  	_ =	shalt  }
0x45: {  	_ =	shalt  }
0x46: {  	_ =	shalt  }
0x47: {  	_ =	shalt  }
0x48: {  	_ =	shalt  }
0x49: {  	_ =	shalt  }
0x4a: {  	_ =	shalt  }
0x4b: {  	_ =	shalt  }
0x4c: {  	_ =	shalt  }
0x4d: {  	_ =	shalt  }
0x4e: {  	_ =	shalt  }
0x4f: {  	_ =	shalt  }
0x50: {  	_ =	shalt  }
0x51: {  	_ =	shalt  }
0x52: {  	_ =	shalt  }
0x53: {  	_ =	shalt  }
0x54: {  	_ =	shalt  }
0x55: {  	_ =	shalt  }
0x56: {  	_ =	shalt  }
0x57: {  	_ =	shalt  }
0x58: {  	_ =	shalt  }
0x59: {  	_ =	shalt  }
0x5a: {  	_ =	shalt  }
0x5b: {  	_ =	shalt  }
0x5c: {  	_ =	shalt  }
0x5d: {  	_ =	shalt  }
0x5e: {  	_ =	shalt  }
0x5f: {  	_ =	shalt  }
0x60: {  	_ =	shalt  }
0x61: {  	_ =	shalt  }
0x62: {  	_ =	shalt  }
0x63: {  	_ =	shalt  }
0x64: {  	_ =	shalt  }
0x65: {  	_ =	shalt  }
0x66: {  	_ =	shalt  }
0x67: {  	_ =	shalt  }
0x68: {  	_ =	shalt  }
0x69: {  	_ =	shalt  }
0x6a: {  	_ =	shalt  }
0x6b: {  	_ =	shalt  }
0x6c: {  	_ =	shalt  }
0x6d: {  	_ =	shalt  }
0x6e: {  	_ =	shalt  }
0x6f: {  	_ =	shalt  }
0x70: {  	_ =	shalt  }
0x71: {  	_ =	shalt  }
0x72: {  	_ =	shalt  }
0x73: {  	_ =	shalt  }
0x74: {  	_ =	shalt  }
0x75: {  	_ =	shalt  }
0x76: {  	_ =	shalt  }
0x77: {  	_ =	shalt  }
0x78: {  	_ =	shalt  }
0x79: {  	_ =	shalt  }
0x7a: {  	_ =	shalt  }
0x7b: {  	_ =	shalt  }
0x7c: {  	_ =	shalt  }
0x7d: {  	_ =	shalt  }
0x7e: {  	_ =	shalt  }
0x7f: {  	_ =	shalt  }
0x80: {  	_ =	shalt  }
0x81: {  	_ =	shalt  }
0x82: {  	_ =	shalt  }
0x83: {  	_ =	shalt  }
0x84: {  	_ =	shalt  }
0x85: {  	_ =	shalt  }
0x86: {  	_ =	shalt  }
0x87: {  	_ =	shalt  }
.Lfunc_end0:
.L_simem_size_0:
called_computation.1_lowered:
.L_overlay_start_0:
0x88: {  	s2 =	sld [smem:$0x3FD9]  }
0x89: {  	s3 =	sld [smem:$0x3FFE];
	_ =	sdelay $0x1  }
0x8a: {  	s1 =	srdreg.scid  }
0x8b: {  	s0 =	sand.u32 $0x1, s1  }
0x8c: {  	s17 =	sshll.u32 s0, $0xA;
	s2 =	sadd.s32 s3, s2  }
0x8d: {  	s2 =	sadd.s32 s2, s17  }
0x8e: {  	[smem:$0x3FBF] =	sst s2  }
0x8f: {  	_ = 	snop  }
0x90: {  	s4 =	sld [smem:$0x3FC6]  }
0x91: {  	s18 =	sld [smem:$0x3FD0];
	(tm) =	ssettm $0x1  }
0x92: {  	s19 =	sld [smem:$0x3FFB];
	_ =	sdelay $0x3  }
0x93: {  	_ =	strace s19  }
0x94: {  	s2 =	sld [smem:$0x3FFC];
	_ =	sdelay $0x3  }
0x95: {  	_ =	strace s2  }
0x96: {  	s2 =	sld [smem:$0x3FFD];
	_ =	sdelay $0x3  }
0x97: {  	_ =	strace s2  }
0x98: {  	_ =	strace $0x8FFFFFFF  }
0x99: {  	s20 =	sld [smem:$0x3FDB];
	_ =	sdelay $0x1  }
0x9a: {  	s5 =	simm.s32 $_scs_section_size  }
0x9b: {  	s6 =	simm.s32 $_size__tile_overlayer_lowered;
	s7 =	simm.s32 $_tile_overlayer_lowered  }
0x9c: {  	s8 =	simm.s32 $0x1BFF;
	s21 =	sshll.u32 s7, $0x1;
	s5 =	sadd.s32 s5, s20  }
0x9d: {  	s22 =	simm.s32 $0x0;
	s6 =	sshll.u32 s6, $0x1;
	s7 =	sadd.s32 s21, s5  }
0x9e: {  	[timem:s22], [sflag:s8] =	dma.local [hbm:s7], s6  }
0x9f: {  	_ =	swait.ge [sflag:s8], s6  }
0xa0: {  	s6 =	ssub.s32 $0x0, s6;
	[sflag:s8] =	ssyncset.done $0x0  }
0xa1: {  	[sflag:s8] =	ssyncadd.s32 s6;
	_ =	sdelay $0x1  }
0xa2: {  	s23 =	simm.s32 $0x1B8B  }
0xa3: {  	_ =	swait.ge [sflag:s23], $0x1  }
0xa4: {  	[sflag:s23] =	ssyncset.done $0x0  }
0xa5: {  	[sflag:s23] =	ssyncadd.s32 $0xFFFFFFFF  }
0xa6: {  	s6 =	sld [smem:$0x0]  }
0xa7: {  	s7 =	sand.u32 $0xFFFFFFFE, s1  }
0xa8: {  	p0 =	sne.s32 s1, s7  }
0xa9: {  	s7 =	sshll.u32 @p0 s7, $0xE  }
0xaa: {  	s7 =	sadd.s32 @p0 $0x11B8D, s7;
	s8 =	sshll.u32 @p0 s6, $0x11  }
0xab: {  	s7 =	sor.u32 @p0 s8, s7  }
0xac: {  	[sflag:s7] =	ssyncadd.remote.s32 @p0 $0x1;
	_ =	sdelay $0x1  }
0xad: {  	s7 =	simm.s32 @p0 $0x1B8D  }
0xae: {  	_ =	swait.eq @p0 [sflag:s7], $0x1  }
0xaf: {  	[sflag:s7] =	ssyncadd.s32 @p0 $0xFFFFFFFF  }
0xb0: {  	s8 =	sshll.u32 @!p0 s1, $0xE  }
0xb1: {  	s8 =	sor.u32 @!p0 $0x4000, s8;
	s7 =	simm.s32 @!p0 $0x1B8D  }
0xb2: {  	s6 =	sshll.u32 @!p0 s6, $0x11;
	s8 =	sadd.s32 @!p0 $0x11B8D, s8;
	_ =	swait.eq @!p0 [sflag:s7], $0x1  }
0xb3: {  	s6 =	sor.u32 @!p0 s6, s8;
	[sflag:s7] =	ssyncadd.s32 @!p0 $0xFFFFFFFF  }
0xb4: {  	s25 =	simm.s32 $0x1B8E;
	s24 =	sld [smem:$0x3FFE];
	[sflag:s6] =	ssyncadd.remote.s32 @!p0 $0x1  }
0xb5: {  	s26 =	simm.s32 $execute0_lowered;
	[smem:$0x3FD2] =	sst s25  }
0xb6: {  	s7 =	sshll.u32 s26, $0x1;
	_ =	strace $0x8000004C;
	[dreg:$0x1] =	wrdreg $0xFFFFFFFF  }
0xb7: {  	s28 =	simm.s32 $_size_execute0_lowered;
	s5 =	sadd.s32 s5, s7;
	[dreg:$0x0] =	wrdreg $0x0  }
0xb8: {  	s7 =	sshll.u32 s28, $0x1;
	[dreg:$0x2] =	wrdreg s5  }
0xb9: {  	[dreg:$0x3] =	wrdreg s7  }
0xba: {  	[dreg:$0x4] =	wrdreg $0xC0  }
0xbb: {  	_ =	task [dreg:s22], $0x5FFFF  }
0xbc: {  	[dreg:$0x1] =	wrdreg $0xFFFFFFFF  }
0xbd: {  	[dreg:$0x0] =	wrdreg $0x60  }
0xbe: {  	[dreg:$0x2] =	wrdreg s4  }
0xbf: {  	[dreg:$0x3] =	wrdreg s24  }
0xc0: {  	[dreg:$0x4] =	wrdreg s18  }
0xc1: {  	[dreg:$0x5] =	wrdreg $0xA  }
0xc2: {  	_ =	task.clear_ibuf [dreg:s22], $0x6FFFF;
	_ =	strace $0x9000004C  }
0xc3: {  	s29 =	simm.s32 $0xA;
	_ =	strace $0x8000004E  }
0xc4: {  	_ =	swait.ge [sflag:s29], $0x1  }
0xc5: {  	[sflag:s29] =	ssyncadd.s32 $0xFFFFFFFF  }
0xc6: {  	_ =	strace $0x9000004E  }
0xc7: {  	_ =	sfence  }
0xc8: {  	s30 =	sld [smem:$0x0];
	_ =	sdelay $0x2  }
0xc9: {  	s31 =	sshll.u32 s1, $0xD;
	s1 =	sshrl.u32 s1, $0x2  }
0xca: {  	s4 =	sand.u32 $0x4000, s31;
	s1 =	sadd.s32 s1, s30  }
0xcb: {  	s0 =	sor.u32 s4, s0;
	s1 =	sshll.u32 s1, $0x11  }
0xcc: {  	s0 =	sor.u32 s1, s0  }
0xcd: {  	s0 =	sadd.s32 $0x8F2B, s0  }
0xce: {  	[sflag:s0] =	ssyncadd.remote.s32 $0x1  }
0xcf: {  	_ =	sfence.sel $0xFFFF  }
0xd0: {  	[dreg:$0x0] =	wrdreg $0xFFFFFFFF;
	(pc) =	sbr.abs _section_cstart, $3  }
0xd1: {  	[dreg:$0x1] =	wrdreg $0xFFFFFFFF  }
0xd2: {  	_ =	task.clear_ibuf [dreg:s22], $0x2FFFF;
	_ =	strace $0x9FFFFFFF  }
0xd3: {  	(tm) =	ssettm $0x7FFFFFFF  }
tec
execute0_lowered:
.L_overlay_start_1:
0x0: {  	(tag) =	ssettag $0x1  }
0x1: {  	s1 =	rddreg [dreg:$0x0]  }
0x2: {  	s6 =	rddreg [dreg:$0x1]  }
0x3: {  	s3 =	rddreg [dreg:$0x2];
	s4 =	srdreg.scid  }
0x4: {  	s0 =	rddreg [dreg:$0x3];
	s2 =	stileid.u32;
	s10 =	simm.s32 $0x3  }
0x5: {  	s11 =	simm.s32 $0x200;
	s12 =	simm.s32 $0x400;
	s13 =	simm.s32 $0x1  }
0x6: {  	s14 =	simm.s32 $0x600;
	s15 =	simm.s32 $0x2;
	s16 =	simm.s32 $0x0  }
0x7: {  	s5 =	sand.u32 $0x1, s4;
	s4 =	simm.s32 $0x0;
	s7 =	sshll.u32 s2, $0x7  }
0x8: {  	v0 =	vlaneseq.u32;
	s8 =	sshll.u32 s5, $0x6;
	[smem:$0x7FF] =	sst s4;
	s9 =	ssub.s32 $0x2, s5  }
0x9: {  	v0 =	vmul.u32 $0x80, v0;
	s30 =	sor.u32 s8, s7;
	_ =	strace $0x8000004D;
	s31 =	sshrl.u32 s9, $0x1  }
0xa: {  	s5 =	sadd.s32 s6, s30;
	s6 =	sadd.s32 $0x23000, s6;
	s9 =	ssub.s32 s9, s31  }
0xb: {  	v1 =	vor.u32 $0x800, v0;
	v2 =	vor.u32 $0x1000, v0;
	v3 =	vor.u32 $0x1800, v0;
	s7 =	sadd.s32 $0x23C00, s5;
	s8 =	sadd.s32 $0x23400, s5;
	s9 =	smax.u32 s9, $0x1  }
.LBB2_1:
0xc: {  	[tilespmem:s4], [sflag:$0x3] =	stream.linear.gather [hbm4b:s7+s4], $0x200, $0x38;
	[tilespmem:$0xC600] =	vst v63  }
0xd: {  	_ =	swait.ge [sflag:s10], $0x200  }
0xe: {  	[sflag:s10] =	ssyncset.done $0x0  }
0xf: {  	[sflag:s10] =	ssyncadd.s32 $0xFFFFFE00  }
0x10: {  	[tilespmem:s11], [sflag:$0x3] =	stream.linear.gather [hbm4b:s8+s4], $0x200, $0x38;
	[tilespmem:$0xC600] =	vst v63  }
0x11: {  	_ =	swait.ge [sflag:s10], $0x200  }
0x12: {  	[sflag:s10] =	ssyncset.done $0x0  }
0x13: {  	[sflag:s10] =	ssyncadd.s32 $0xFFFFFE00  }
0x14: {  	[tilespmem:s12], [sflag:$0x3] =	stream.linear.gather [hbm4b:s5+s4], $0x200, $0x38;
	[tilespmem:$0xC600] =	vst v63  }
0x15: {  	_ =	swait.ge [sflag:s10], $0x200  }
0x16: {  	[sflag:s10] =	ssyncset.done $0x0  }
0x17: {  	[sflag:s10] =	ssyncadd.s32 $0xFFFFFE00  }
0x18: {  	v4 =	vld.msk [tilespmem:s4+$0x0], $0xffff;
	_ =	sdelay $0x4  }
0x19: {  	(v2sf) =	vpush v4, $0x0;
	_ =	sdelay $0xe  }
0x1a: {  	s17 =	spop (v2sf)  }
0x1b: {  	p0 =	sgt.s32 s17, $0xF41FF  }
0x1c: {  	v4 =	vmov s4;
	s18 =	simm.s32 @p0 $0x0  }
0x1d: {  	s19 =	simm.s32 @p0 $0x600;
	s17 =	sand.u32 @!p0 $0xFFFFF80, s17;
	s20 =	simm.s32 @!p0 $0x600  }
0x1e: {  	[tilespmem:s19], [sflag:$0x1] =	stream.linear.gather @p0 [hbm4b:s6+s18], $0x2000, $0x38;
	[tilespmem:$0xC600] =	vst v63  }
0x1f: {  	s17 =	sadd.s32 @!p0 s1, s17;
	s18 =	simm.s32 @!p0 $0x400;
	s19 =	simm.s32 @!p0 $0x7A1400  }
0x20: {  	[tilespmem:s20], [sflag:$0x1] =	stream.strided.gather @!p0 [hbm4b:s17+s18], $0x2000, s19, s18, $0x38;
	[tilespmem:$0xC600] =	vst v63  }
0x21: {  	v5 =	vld.idx.msk [tilespmem:v4+s11+$0x0], $0xffff;
	_ =	sdelay $0x4  }
0x22: {  	(v2sf) =	vpush v5, $0x0;
	_ =	sdelay $0xe  }
0x23: {  	v5 =	vld.idx.msk [tilespmem:v4+s4+$0x0], $0xffff;
	s17 =	spop (v2sf)  }
0x24: {  	s18 =	simm.s32 $0x1;
	p0 =	seq.s32 s17, $0xFFFFFFFF;
	p1 =	sne.s32 s17, $0xFFFFFFFF  }
0x25: {  	s18 =	simm.s32 @!p1 $0x0;
	s19 =	simm.s32 @!p0 $0x1;
	p2 =	seq.s32 @!p0 s17, $0x7FFFFFF  }
0x26: {  	s18 =	sxor.u32 s18, s13;
	_ =	swait.ge @!p0 [sflag:s19], $0x2000;
	p1 =	por p2, p0  }
0x27: {  	[sflag:s19] =	ssyncset.done @!p0 $0x0;
	p3 =	sgt.s32 @!p1 s17, $0x1E83;
	s30 =	sshll.u32 s18, $0xD  }
0x28: {  	v5 =	vand.u32 $0x7F, v5;
	s21 =	sshll.u32 @!p1 s18, $0xF;
	p4 =	por @!p0 !p3, p2;
	p2 =	por @!p0 p3, p2  }
0x29: {  	v5 =	vor.u32 s30, v5;
	s20 =	ssub.s32 @!p1 $0x8000, s21;
	[sflag:s19] =	ssyncadd.s32 @!p0 $0xFFFFE000;
	p2 =	por p2, p0  }
0x2a: {  	p3 =	por p4, p0;
	s19 =	sshra.s32 @!p1 s20, $0x2;
	v6 =	vor.u32 v0, v5;
	s17 =	sshll.u32 @!p2 s17, $0x7  }
0x2b: {  	s19 =	sor.u32 @!p1 $0x600, s19;
	s20 =	simm.s32 @!p3 $0x0;
	s17 =	sand.u32 @!p2 $0x1FFFFF80, s17  }
0x2c: {  	[tilespmem:s19], [sflag:$0x1] =	stream.linear.gather @!p3 [hbm4b:s6+s20], $0x2000, $0x38;
	[tilespmem:$0xC600] =	vst v63  }
0x2d: {  	s21 =	simm.s32 @!p2 $0x7A1400;
	s20 =	simm.s32 @!p2 $0x400;
	s17 =	sadd.s32 @!p2 s1, s17  }
0x2e: {  	[tilespmem:s19], [sflag:$0x1] =	stream.strided.gather @!p2 [hbm4b:s17+s20], $0x2000, s21, s20, $0x38;
	[tilespmem:$0xC600] =	vst v63  }
0x2f: {  	v6 =	vld.idx.msk [tilespmem:v6+s14+$0x0], $0xffff  }
0x30: {  	v7 =	vor.u32 v1, v5;
	_ =	sdelay $0x2  }
0x31: {  	s17 =	simm.s32 $0x4600  }
0x32: {  	[tilespmem:s17+$0x0] =	vst v6  }
0x33: {  	v6 =	vld.idx.msk [tilespmem:v7+s14+$0x0], $0xffff  }
0x34: {  	v7 =	vor.u32 v2, v5;
	_ =	sdelay $0x3  }
0x35: {  	[tilespmem:s17+$0x10] =	vst v6  }
0x36: {  	v6 =	vld.idx.msk [tilespmem:v7+s14+$0x0], $0xffff  }
0x37: {  	v5 =	vor.u32 v3, v5;
	_ =	sdelay $0x3  }
0x38: {  	[tilespmem:s17+$0x20] =	vst v6  }
0x39: {  	v5 =	vld.idx.msk [tilespmem:v5+s14+$0x0], $0xffff;
	_ =	sdelay $0x4  }
0x3a: {  	[tilespmem:s17+$0x30] =	vst v5  }
0x3b: {  	v4 =	vld.idx.msk [tilespmem:v4+s12+$0x0], $0xffff;
	_ =	sdelay $0x4  }
0x3c: {  	(v2sf) =	vpush v4, $0x0;
	_ =	sdelay $0x9  }
0x3d: {  	s31 =	simm.s32 $0x1  }
0x3e: {  	s19 =	simm.s32 $0x2;
	s20 =	simm.s32 $0x4600;
	v4 =	vmov s31  }
.LBB2_2:
0x3f: {  	_ =	sdelay $0x1  }
0x40: {  	s17 =	sadd.s32 $0x40, s17;
	s21 =	smov.u32 s19;
	s19 =	sadd.s32 $0x1, s19  }
0x41: {  	p0 =	sne.s32 s19, $0x200;
	s22 =	spop (v2sf)  }
0x42: {  	s22 =	sshll.u32 s22, $0x3  }
0x43: {  	s22 =	sand.u32 $0x1FFFFFF8, s22  }
0x44: {  	s22 =	sadd.s32 s3, s22  }
0x45: {  	[hbm4b:s22+s4] =	stream.linear.scatter [tilespmem:s20], [sflag:$0x2], $0x40, $0x38;
	[tilespmem:$0xC600] =	vst v63  }
0x46: {  	s20 =	smov.u32 s17;
	v5 =	vld.idx.msk [tilespmem:v4+s11+$0x0], $0xffff;
	_ =	sdelay $0x5  }
0x47: {  	(v2sf) =	vpush v5, $0x0;
	_ =	sdelay $0xc  }
0x48: {  	v5 =	vld.idx.msk [tilespmem:v4+s4+$0x0], $0xffff;
	_ =	sdelay $0x1  }
0x49: {  	s22 =	spop (v2sf)  }
0x4a: {  	s23 =	simm.s32 $0x1;
	p1 =	seq.s32 s22, $0xFFFFFFFF;
	p2 =	sne.s32 s22, $0xFFFFFFFF  }
0x4b: {  	s23 =	simm.s32 @!p2 $0x0;
	s24 =	simm.s32 @!p1 $0x1;
	p3 =	seq.s32 @!p1 s22, $0x7FFFFFF  }
0x4c: {  	s18 =	sxor.u32 s23, s18;
	_ =	swait.ge @!p1 [sflag:s24], $0x2000;
	p2 =	por p3, p1  }
0x4d: {  	v5 =	vand.u32 $0x7F, v5;
	[sflag:s24] =	ssyncset.done @!p1 $0x0;
	p4 =	sgt.s32 @!p2 s22, $0x1E83;
	s23 =	sshll.u32 s18, $0xD  }
0x4e: {  	s25 =	sshll.u32 @!p2 s18, $0xF;
	p5 =	por @!p1 !p4, p3;
	p3 =	por @!p1 p4, p3;
	v5 =	vor.u32 s23, v5  }
0x4f: {  	s23 =	ssub.s32 @!p2 $0x8000, s25;
	p4 =	por p5, p1;
	p3 =	por p3, p1  }
0x50: {  	s23 =	sshra.s32 @!p2 s23, $0x2;
	v6 =	vor.u32 v0, v5;
	[sflag:s24] =	ssyncadd.s32 @!p1 $0xFFFFE000;
	s22 =	sshll.u32 @!p3 s22, $0x7  }
0x51: {  	s23 =	sor.u32 @!p2 $0x600, s23;
	s24 =	simm.s32 @!p4 $0x0;
	s22 =	sand.u32 @!p3 $0x1FFFFF80, s22  }
0x52: {  	[tilespmem:s23], [sflag:$0x1] =	stream.linear.gather @!p4 [hbm4b:s6+s24], $0x2000, $0x38;
	[tilespmem:$0xC600] =	vst v63  }
0x53: {  	s25 =	simm.s32 @!p3 $0x7A1400;
	s22 =	sadd.s32 @!p3 s1, s22;
	s24 =	simm.s32 @!p3 $0x400  }
0x54: {  	[tilespmem:s23], [sflag:$0x1] =	stream.strided.gather @!p3 [hbm4b:s22+s24], $0x2000, s25, s24, $0x38;
	[tilespmem:$0xC600] =	vst v63  }
0x55: {  	v6 =	vld.idx.msk [tilespmem:v6+s14+$0x0], $0xffff  }
0x56: {  	v7 =	vor.u32 v1, v5;
	_ =	sdelay $0x4  }
0x57: {  	[tilespmem:s17+$0x0] =	vst v6  }
0x58: {  	v6 =	vld.idx.msk [tilespmem:v7+s14+$0x0], $0xffff  }
0x59: {  	v7 =	vor.u32 v2, v5;
	_ =	sdelay $0x4  }
0x5a: {  	[tilespmem:s17+$0x10] =	vst v6  }
0x5b: {  	v6 =	vld.idx.msk [tilespmem:v7+s14+$0x0], $0xffff  }
0x5c: {  	v5 =	vor.u32 v3, v5;
	_ =	sdelay $0x4  }
0x5d: {  	[tilespmem:s17+$0x20] =	vst v6  }
0x5e: {  	v5 =	vld.idx.msk [tilespmem:v5+s14+$0x0], $0xffff;
	_ =	sdelay $0x5  }
0x5f: {  	[tilespmem:s17+$0x30] =	vst v5  }
0x60: {  	v4 =	vld.idx.msk [tilespmem:v4+s12+$0x0], $0xffff;
	_ =	sdelay $0x5  }
0x61: {  	(v2sf) =	vpush v4, $0x0;
	_ =	sdelay $0x6  }
.Ltmp0:
0x62: {  	(pc) =	sbr.rel @p0 .LBB2_2-.Ltmp0, $2  }
0x63: {  	_ =	sdelay $0x2  }
0x64: {  	v4 =	vmov s21  }
0x65: {  	_ =	sdelay $0x2  }
0x66: {  	s19 =	spop (v2sf)  }
0x67: {  	s19 =	sshll.u32 s19, $0x3  }
0x68: {  	s19 =	sand.u32 $0x1FFFFFF8, s19  }
0x69: {  	s19 =	sadd.s32 s3, s19  }
0x6a: {  	[hbm4b:s19+s4] =	stream.linear.scatter [tilespmem:s20], [sflag:$0x2], $0x40, $0x38;
	[tilespmem:$0xC600] =	vst v63  }
0x6b: {  	v5 =	vld.idx.msk [tilespmem:v4+s11+$0x0], $0xffff;
	_ =	sdelay $0x4  }
0x6c: {  	(v2sf) =	vpush v5, $0x0;
	_ =	sdelay $0xe  }
0x6d: {  	v5 =	vld.idx.msk [tilespmem:v4+s4+$0x0], $0xffff;
	s19 =	spop (v2sf)  }
0x6e: {  	s20 =	simm.s32 $0x1;
	p0 =	seq.s32 s19, $0xFFFFFFFF;
	p1 =	sne.s32 s19, $0xFFFFFFFF  }
0x6f: {  	s20 =	simm.s32 @!p1 $0x0;
	s21 =	simm.s32 @!p0 $0x1;
	p2 =	seq.s32 @!p0 s19, $0x7FFFFFF  }
0x70: {  	s18 =	sxor.u32 s20, s18;
	_ =	swait.ge @!p0 [sflag:s21], $0x2000;
	p1 =	por p2, p0  }
0x71: {  	[sflag:s21] =	ssyncset.done @!p0 $0x0;
	p3 =	sgt.s32 @!p1 s19, $0x1E83;
	s20 =	sshll.u32 s18, $0xD  }
0x72: {  	v5 =	vand.u32 $0x7F, v5;
	s18 =	sshll.u32 @!p1 s18, $0xF;
	p4 =	por @!p0 !p3, p2;
	p2 =	por @!p0 p3, p2  }
0x73: {  	v5 =	vor.u32 s20, v5;
	s18 =	ssub.s32 @!p1 $0x8000, s18;
	[sflag:s21] =	ssyncadd.s32 @!p0 $0xFFFFE000;
	p2 =	por p2, p0  }
0x74: {  	p3 =	por p4, p0;
	s18 =	sshra.s32 @!p1 s18, $0x2;
	v6 =	vor.u32 v0, v5;
	s19 =	sshll.u32 @!p2 s19, $0x7  }
0x75: {  	s18 =	sor.u32 @!p1 $0x600, s18;
	s20 =	simm.s32 @!p3 $0x0;
	s19 =	sand.u32 @!p2 $0x1FFFFF80, s19  }
0x76: {  	[tilespmem:s18], [sflag:$0x1] =	stream.linear.gather @!p3 [hbm4b:s6+s20], $0x2000, $0x38;
	[tilespmem:$0xC600] =	vst v63  }
0x77: {  	s21 =	simm.s32 @!p2 $0x7A1400;
	s20 =	simm.s32 @!p2 $0x400;
	s19 =	sadd.s32 @!p2 s1, s19  }
0x78: {  	[tilespmem:s18], [sflag:$0x1] =	stream.strided.gather @!p2 [hbm4b:s19+s20], $0x2000, s21, s20, $0x38;
	[tilespmem:$0xC600] =	vst v63  }
0x79: {  	v6 =	vld.idx.msk [tilespmem:v6+s14+$0x0], $0xffff  }
0x7a: {  	v7 =	vor.u32 v1, v5;
	_ =	sdelay $0x2  }
0x7b: {  	s17 =	sadd.s32 $0x40, s17  }
0x7c: {  	[tilespmem:s17+$0x0] =	vst v6  }
0x7d: {  	v6 =	vld.idx.msk [tilespmem:v7+s14+$0x0], $0xffff  }
0x7e: {  	v63 =	vor.u32 v2, v5;
	_ =	sdelay $0x3  }
0x7f: {  	[tilespmem:s17+$0x10] =	vst v6  }
0x80: {  	v6 =	vld.idx.msk [tilespmem:v63+s14+$0x0], $0xffff  }
0x81: {  	v5 =	vor.u32 v3, v5;
	_ =	sdelay $0x3  }
0x82: {  	[tilespmem:s17+$0x20] =	vst v6  }
0x83: {  	v5 =	vld.idx.msk [tilespmem:v5+s14+$0x0], $0xffff;
	_ =	sdelay $0x4  }
0x84: {  	[tilespmem:s17+$0x30] =	vst v5  }
0x85: {  	v4 =	vld.idx.msk [tilespmem:v4+s12+$0x0], $0xffff;
	_ =	sdelay $0x4  }
0x86: {  	(v2sf) =	vpush v4, $0x0;
	_ =	sdelay $0xe  }
0x87: {  	s31 =	spop (v2sf)  }
0x88: {  	s18 =	sshll.u32 s31, $0x3  }
0x89: {  	s18 =	sand.u32 $0x1FFFFFF8, s18  }
0x8a: {  	s18 =	sadd.s32 s3, s18  }
0x8b: {  	[hbm4b:s18+s4] =	stream.linear.scatter [tilespmem:s17], [sflag:$0x2], $0x40, $0x38;
	[tilespmem:$0xC600] =	vst v63  }
0x8c: {  	_ =	swait.ge [sflag:s15], $0x40  }
0x8d: {  	s17 =	simm.s32 $0x1FF;
	[sflag:s15] =	ssyncset.done $0x0  }
.LBB2_4:
0x8e: {  	p0 =	sne.s32 s17, $0x1;
	s17 =	sadd.s32 $0xFFFFFFFF, s17;
	[sflag:s15] =	ssyncadd.s32 $0xFFFFFFC0  }
.Ltmp1:
0x8f: {  	(pc) =	sbr.rel @p0 .LBB2_4-.Ltmp1, $3  }
0x90: {  	_ =	sdelay $0x1  }
0x91: {  	_ =	swait.ge [sflag:s15], $0x40  }
0x92: {  	[sflag:s15] =	ssyncset.done $0x0  }
0x93: {  	s16 =	sadd.s32 $0x1, s16  }
0x94: {  	p0 =	sne.s32 s16, s9  }
.Ltmp2:
0x95: {  	_ = 	snop;
	(pc) =	sbr.rel @p0 .LBB2_1-.Ltmp2, $2  }
0x96: {  	_ =	sdelay $0x2  }
0x97: {  	[sflag:s15] =	ssyncadd.s32 $0xFFFFFFC0  }
0x98: {  	_ =	sfence.sel $0x180000  }
0x99: {  	[bflag:$0x0] =	sbarrier.arrive $0xFFFF  }
0x9a: {  	p0 =	sne.s32 s2, $0x0;
	_ =	strace $0x9000004D  }
0x9b: {  	s0 =	sadd.s32 @!p0 $0x100000, s0;
	[bflag:$0x2] =	sbarrier.arrive $0xFFFF  }
0x9c: {  	[sflag:s0] =	ssyncadd.tile.s32 @!p0 $0x1;
	_ =	shalt  }
.Lfunc_end2:
_tile_overlayer_lowered:
.L_overlay_start_2:
0x9d: {  	(tag) =	ssettag $0x2  }
0x9e: {  	s0 =	rddreg [dreg:$0x0];
	s2 =	stileid.u32  }
0x9f: {  	s1 =	rddreg [dreg:$0x1];
	p0 =	sne.s32 s2, $0x0  }
0xa0: {  	s3 =	rddreg [dreg:$0x2];
	[bflag:$0x3] =	sbarrier.arrive $0xFFFF;
	s2 =	simm.s32 @!p0 $0x1C03  }
0xa1: {  	[timem:s3], [sflag:s2] =	dma.local @!p0 [hbm:s0], s1  }
0xa2: {  	s0 =	simm.s32 @!p0 $0x3  }
0xa3: {  	_ =	swait.ge @!p0 [sflag:s0], s1  }
0xa4: {  	s1 =	ssub.s32 @!p0 $0x0, s1;
	[sflag:s0] =	ssyncset.done @!p0 $0x0  }
0xa5: {  	[sflag:s0] =	ssyncadd.s32 @!p0 s1  }
0xa6: {  	[bflag:$0x3] =	sbarrier.arrive $0xFFFF  }
0xa7: {  	_ =	shalt  }

// kernel: kernel.8.cloned.1.call-start
scs
__scs_entry_jumppad:
0x0: {  	(pc) =	sbr.rel $0x88, $3  }
0x1: {  	(tag) =	ssettag $0x0;
	lr =	simm.s32 $0x1  }
0x2: {  	[smem:$0x3F98] =	sst lr;
	_ =	strace $0xD0000000  }
0x3: {  	_ = 	snop  }
0x4: {  	_ = 	snop  }
0x5: {  	_ = 	snop  }
0x6: {  	_ = 	snop  }
0x7: {  	_ = 	snop  }
__scs_overlays_trampoline_lowered:
0x8: {  	[smem:$0x3FA7] =	sst s0  }
0x9: {  	[smem:$0x3FA8] =	sst s1  }
0xa: {  	[smem:$0x3FA9] =	sst s2  }
0xb: {  	[smem:$0x3FAA] =	sst s3  }
0xc: {  	[smem:$0x3FAB] =	sst s4  }
0xd: {  	[smem:$0x3FAC] =	sst s5  }
0xe: {  	[smem:$0x3FAD] =	sst s6  }
0xf: {  	[smem:$0x3FAE] =	sst s7  }
0x10: {  	[smem:$0x3FAF] =	sst s8  }
0x11: {  	[smem:$0x3FB0] =	sst s9;
	s0 =	simm.s32 @!p0 $0x0  }
0x12: {  	s1 =	sld [smem:$0x3F96];
	s0 =	simm.s32 @p0 $0x1  }
0x13: {  	[smem:$0x3FB1] =	sst s0;
	s0 =	simm.s32 @!p1 $0x0  }
0x14: {  	s2 =	sld [smem:$0x3F95];
	s0 =	simm.s32 @p1 $0x1  }
0x15: {  	[smem:$0x3FB2] =	sst s0;
	s0 =	simm.s32 @!p2 $0x0  }
0x16: {  	s3 =	sld [smem:$0x3FDB];
	s0 =	simm.s32 @p2 $0x1  }
0x17: {  	s4 =	simm.s32 $0x1BF5;
	[smem:$0x3FB4] =	sst s0  }
0x18: {  	s0 =	sld [smem:$0x3F97];
	_ =	swait.ge [sflag:s4], $0x0  }
0x19: {  	s7 =	sld [smem:$0x3F98]  }
0x1a: {  	s8 =	sadd.s32 $0xFFFFE003, lr  }
0x1b: {  	s9 =	sadd.s32 $0xFFFFFEF7, lr;
	s5 =	simm.s32 $0xFFFFFFFF;
	p2 =	slt.u32 s8, $0xFFFFF086  }
0x1c: {  	p1 =	slt.u32 s9, $0xF7A;
	s5 =	simm.s32 @!p2 $0x0  }
0x1d: {  	s5 =	simm.s32 @p1 $0x1;
	p0 =	seq.s32 s7, s2  }
0x1e: {  	s7 =	smul.u32 @!p0 $0xF7A, s2;
	p2 =	seq.s32 @!p0 s5, $0x0  }
0x1f: {  	s9 =	smul.u32 $0xF7A, s1;
	s8 =	simm.s32 @!p0 $0x1BF5;
	p2 =	por !p2, p0  }
0x20: {  	[sflag:s8] =	ssyncset.s32 @!p0 $0xFFFFF086;
	s6 =	sadd.s32 @!p0 s3, s7;
	s7 =	simm.s32 @!p0 $0x108  }
0x21: {  	s3 =	sadd.s32 s3, s9;
	s6 =	sadd.s32 @!p0 $0x88, s6;
	s7 =	simm.s32 @p2 $0x1082  }
0x22: {  	[simem:s7], [sflag:s8] =	dma.local @!p0 [hbm:s6], $0xF7A  }
0x23: {  	s9 =	sor.u32 $0xD0000000, s2;
	s6 =	simm.s32 $0x108;
	_ =	swait.ge @!p0 [sflag:s8], $0x0  }
0x24: {  	s3 =	sadd.s32 $0x88, s3;
	s6 =	simm.s32 @!p1 $0x1082;
	[sflag:s4] =	ssyncset.s32 $0xFFFFF086  }
0x25: {  	[simem:s6], [sflag:s4] =	dma.local [hbm:s3], $0xF7A  }
0x26: {  	[smem:$0x3F98] =	sst s1;
	(tag) =	ssettag s2;
	_ =	strace s9  }
0x27: {  	s1 =	sld [smem:$0x3FA8]  }
0x28: {  	s2 =	sld [smem:$0x3FA9]  }
0x29: {  	s4 =	sld [smem:$0x3FAB]  }
0x2a: {  	p0 =	seq.s32 s5, $0x0;
	s5 =	sld [smem:$0x3FAC]  }
0x2b: {  	s6 =	sld [smem:$0x3FAD]  }
0x2c: {  	s7 =	sld [smem:$0x3FAE]  }
0x2d: {  	s3 =	simm.s32 $0x108;
	s8 =	sld [smem:$0x3FAF]  }
0x2e: {  	s3 =	simm.s32 @!p0 $0x1082;
	s9 =	sld [smem:$0x3FB0]  }
0x2f: {  	lr =	sadd.s32 s0, s3;
	s0 =	sld [smem:$0x3FA7]  }
0x30: {  	s3 =	sld [smem:$0x3FAA]  }
0x31: {  	[smem:$0x3FB3] =	sst s10  }
0x32: {  	s10 =	sld [smem:$0x3FB1];
	_ =	sdelay $0x3  }
0x33: {  	p0 =	seq.s32 s10, $0x1;
	s10 =	sld [smem:$0x3FB3];
	_ =	sdelay $0x3  }
0x34: {  	[smem:$0x3FB3] =	sst s10  }
0x35: {  	s10 =	sld [smem:$0x3FB2];
	_ =	sdelay $0x3  }
0x36: {  	p1 =	seq.s32 s10, $0x1;
	s10 =	sld [smem:$0x3FB3];
	_ =	sdelay $0x3  }
0x37: {  	[smem:$0x3FB3] =	sst s10  }
0x38: {  	s10 =	sld [smem:$0x3FB4]  }
0x39: {  	_ = 	snop;
	(pc) =	sbr.ind lr, $3  }
0x3a: {  	_ = 	snop  }
0x3b: {  	_ = 	snop  }
0x3c: {  	p2 =	seq.s32 s10, $0x1;
	s10 =	sld [smem:$0x3FB3]  }
0x3d: {  	_ =	shalt  }
0x3e: {  	_ =	shalt  }
0x3f: {  	_ =	shalt  }
0x40: {  	_ =	shalt  }
0x41: {  	_ =	shalt  }
0x42: {  	_ =	shalt  }
0x43: {  	_ =	shalt  }
0x44: {  	_ =	shalt  }
0x45: {  	_ =	shalt  }
0x46: {  	_ =	shalt  }
0x47: {  	_ =	shalt  }
0x48: {  	_ =	shalt  }
0x49: {  	_ =	shalt  }
0x4a: {  	_ =	shalt  }
0x4b: {  	_ =	shalt  }
0x4c: {  	_ =	shalt  }
0x4d: {  	_ =	shalt  }
0x4e: {  	_ =	shalt  }
0x4f: {  	_ =	shalt  }
0x50: {  	_ =	shalt  }
0x51: {  	_ =	shalt  }
0x52: {  	_ =	shalt  }
0x53: {  	_ =	shalt  }
0x54: {  	_ =	shalt  }
0x55: {  	_ =	shalt  }
0x56: {  	_ =	shalt  }
0x57: {  	_ =	shalt  }
0x58: {  	_ =	shalt  }
0x59: {  	_ =	shalt  }
0x5a: {  	_ =	shalt  }
0x5b: {  	_ =	shalt  }
0x5c: {  	_ =	shalt  }
0x5d: {  	_ =	shalt  }
0x5e: {  	_ =	shalt  }
0x5f: {  	_ =	shalt  }
0x60: {  	_ =	shalt  }
0x61: {  	_ =	shalt  }
0x62: {  	_ =	shalt  }
0x63: {  	_ =	shalt  }
0x64: {  	_ =	shalt  }
0x65: {  	_ =	shalt  }
0x66: {  	_ =	shalt  }
0x67: {  	_ =	shalt  }
0x68: {  	_ =	shalt  }
0x69: {  	_ =	shalt  }
0x6a: {  	_ =	shalt  }
0x6b: {  	_ =	shalt  }
0x6c: {  	_ =	shalt  }
0x6d: {  	_ =	shalt  }
0x6e: {  	_ =	shalt  }
0x6f: {  	_ =	shalt  }
0x70: {  	_ =	shalt  }
0x71: {  	_ =	shalt  }
0x72: {  	_ =	shalt  }
0x73: {  	_ =	shalt  }
0x74: {  	_ =	shalt  }
0x75: {  	_ =	shalt  }
0x76: {  	_ =	shalt  }
0x77: {  	_ =	shalt  }
0x78: {  	_ =	shalt  }
0x79: {  	_ =	shalt  }
0x7a: {  	_ =	shalt  }
0x7b: {  	_ =	shalt  }
0x7c: {  	_ =	shalt  }
0x7d: {  	_ =	shalt  }
0x7e: {  	_ =	shalt  }
0x7f: {  	_ =	shalt  }
0x80: {  	_ =	shalt  }
0x81: {  	_ =	shalt  }
0x82: {  	_ =	shalt  }
0x83: {  	_ =	shalt  }
0x84: {  	_ =	shalt  }
0x85: {  	_ =	shalt  }
0x86: {  	_ =	shalt  }
0x87: {  	_ =	shalt  }
.Lfunc_end0:
.L_simem_size_0:
called_computation.2_lowered:
.L_overlay_start_0:
0x88: {  	s2 =	sld [smem:$0x3FD9]  }
0x89: {  	s3 =	sld [smem:$0x3FFE];
	_ =	sdelay $0x1  }
0x8a: {  	s1 =	srdreg.scid  }
0x8b: {  	s0 =	sand.u32 $0x1, s1  }
0x8c: {  	s17 =	sshll.u32 s0, $0xA;
	s2 =	sadd.s32 s3, s2  }
0x8d: {  	s2 =	sadd.s32 s2, s17  }
0x8e: {  	[smem:$0x3FBF] =	sst s2  }
0x8f: {  	_ = 	snop  }
0x90: {  	s18 =	sld [smem:$0x3FC8];
	(tm) =	ssettm $0x1  }
0x91: {  	s19 =	sld [smem:$0x3FFB];
	_ =	sdelay $0x3  }
0x92: {  	_ =	strace s19  }
0x93: {  	s2 =	sld [smem:$0x3FFC];
	_ =	sdelay $0x3  }
0x94: {  	_ =	strace s2  }
0x95: {  	s2 =	sld [smem:$0x3FFD];
	_ =	sdelay $0x3  }
0x96: {  	_ =	strace s2  }
0x97: {  	_ =	strace $0x8FFFFFFF  }
0x98: {  	s20 =	sld [smem:$0x3FDB];
	_ =	sdelay $0x1  }
0x99: {  	s4 =	simm.s32 $_scs_section_size  }
0x9a: {  	s5 =	simm.s32 $_size__tile_overlayer_lowered;
	s6 =	simm.s32 $_tile_overlayer_lowered  }
0x9b: {  	s7 =	simm.s32 $0x1BFF;
	s21 =	sshll.u32 s6, $0x1;
	s4 =	sadd.s32 s4, s20  }
0x9c: {  	s22 =	simm.s32 $0x0;
	s5 =	sshll.u32 s5, $0x1;
	s6 =	sadd.s32 s21, s4  }
0x9d: {  	[timem:s22], [sflag:s7] =	dma.local [hbm:s6], s5  }
0x9e: {  	_ =	swait.ge [sflag:s7], s5  }
0x9f: {  	s5 =	ssub.s32 $0x0, s5;
	[sflag:s7] =	ssyncset.done $0x0  }
0xa0: {  	[sflag:s7] =	ssyncadd.s32 s5;
	_ =	sdelay $0x1  }
0xa1: {  	s23 =	simm.s32 $0x1B8B  }
0xa2: {  	_ =	swait.ge [sflag:s23], $0x1  }
0xa3: {  	[sflag:s23] =	ssyncset.done $0x0  }
0xa4: {  	[sflag:s23] =	ssyncadd.s32 $0xFFFFFFFF  }
0xa5: {  	s5 =	sld [smem:$0x0]  }
0xa6: {  	s6 =	sand.u32 $0xFFFFFFFE, s1  }
0xa7: {  	p0 =	sne.s32 s1, s6  }
0xa8: {  	s6 =	sshll.u32 @p0 s6, $0xE  }
0xa9: {  	s6 =	sadd.s32 @p0 $0x11B8D, s6;
	s7 =	sshll.u32 @p0 s5, $0x11  }
0xaa: {  	s6 =	sor.u32 @p0 s7, s6  }
0xab: {  	[sflag:s6] =	ssyncadd.remote.s32 @p0 $0x1;
	_ =	sdelay $0x1  }
0xac: {  	s6 =	simm.s32 @p0 $0x1B8D  }
0xad: {  	_ =	swait.eq @p0 [sflag:s6], $0x1  }
0xae: {  	[sflag:s6] =	ssyncadd.s32 @p0 $0xFFFFFFFF  }
0xaf: {  	s7 =	sshll.u32 @!p0 s1, $0xE  }
0xb0: {  	s7 =	sor.u32 @!p0 $0x4000, s7;
	s6 =	simm.s32 @!p0 $0x1B8D  }
0xb1: {  	s5 =	sshll.u32 @!p0 s5, $0x11;
	s7 =	sadd.s32 @!p0 $0x11B8D, s7;
	_ =	swait.eq @!p0 [sflag:s6], $0x1  }
0xb2: {  	s5 =	sor.u32 @!p0 s5, s7;
	[sflag:s6] =	ssyncadd.s32 @!p0 $0xFFFFFFFF  }
0xb3: {  	s25 =	simm.s32 $0x1B8E;
	s24 =	sld [smem:$0x3FFE];
	[sflag:s5] =	ssyncadd.remote.s32 @!p0 $0x1  }
0xb4: {  	s26 =	simm.s32 $execute0_lowered;
	[smem:$0x3FD2] =	sst s25  }
0xb5: {  	s6 =	sshll.u32 s26, $0x1;
	_ =	strace $0x80000049;
	[dreg:$0x1] =	wrdreg $0xFFFFFFFF  }
0xb6: {  	s28 =	simm.s32 $_size_execute0_lowered;
	s4 =	sadd.s32 s4, s6;
	[dreg:$0x0] =	wrdreg $0x0  }
0xb7: {  	s6 =	sshll.u32 s28, $0x1;
	[dreg:$0x2] =	wrdreg s4  }
0xb8: {  	[dreg:$0x3] =	wrdreg s6  }
0xb9: {  	[dreg:$0x4] =	wrdreg $0xC0  }
0xba: {  	_ =	task [dreg:s22], $0x5FFFF  }
0xbb: {  	[dreg:$0x1] =	wrdreg $0xFFFFFFFF  }
0xbc: {  	[dreg:$0x0] =	wrdreg $0x60  }
0xbd: {  	[dreg:$0x2] =	wrdreg s24  }
0xbe: {  	[dreg:$0x3] =	wrdreg s18  }
0xbf: {  	[dreg:$0x4] =	wrdreg $0x9  }
0xc0: {  	_ =	task.clear_ibuf [dreg:s22], $0x5FFFF;
	_ =	strace $0x90000049  }
0xc1: {  	s29 =	simm.s32 $0x9;
	_ =	strace $0x8000004B  }
0xc2: {  	_ =	swait.ge [sflag:s29], $0x1  }
0xc3: {  	[sflag:s29] =	ssyncadd.s32 $0xFFFFFFFF  }
0xc4: {  	_ =	strace $0x9000004B  }
0xc5: {  	_ =	sfence  }
0xc6: {  	s30 =	sld [smem:$0x0];
	_ =	sdelay $0x2  }
0xc7: {  	s31 =	sshll.u32 s1, $0xD;
	s1 =	sshrl.u32 s1, $0x2  }
0xc8: {  	s4 =	sand.u32 $0x4000, s31;
	s1 =	sadd.s32 s1, s30  }
0xc9: {  	s0 =	sor.u32 s4, s0;
	s1 =	sshll.u32 s1, $0x11  }
0xca: {  	s0 =	sor.u32 s1, s0  }
0xcb: {  	s0 =	sadd.s32 $0x8F2B, s0  }
0xcc: {  	[sflag:s0] =	ssyncadd.remote.s32 $0x1  }
0xcd: {  	_ =	sfence.sel $0xFFFF  }
0xce: {  	[dreg:$0x0] =	wrdreg $0xFFFFFFFF;
	(pc) =	sbr.abs _section_cstart, $3  }
0xcf: {  	[dreg:$0x1] =	wrdreg $0xFFFFFFFF  }
0xd0: {  	_ =	task.clear_ibuf [dreg:s22], $0x2FFFF;
	_ =	strace $0x9FFFFFFF  }
0xd1: {  	(tm) =	ssettm $0x7FFFFFFF  }
tec
execute0_lowered:
.L_overlay_start_1:
0x0: {  	(tag) =	ssettag $0x1  }
0x1: {  	s14 =	rddreg [dreg:$0x0]  }
0x2: {  	s1 =	srdreg.scid;
	s0 =	stileid.u32  }
0x3: {  	s3 =	rddreg [dreg:$0x1];
	s15 =	sand.u32 $0x1, s1;
	s4 =	sshll.u32 s0, $0x1  }
0x4: {  	s2 =	simm.s32 $0x0;
	s1 =	rddreg [dreg:$0x2];
	s16 =	sor.u32 s15, s4  }
0x5: {  	[smem:$0x7FF] =	sst s2;
	s4 =	sshll.u32 s16, $0x6  }
0x6: {  	_ =	strace $0x8000004A;
	s4 =	sadd.s32 s3, s4;
	s3 =	simm.s32 $0x2  }
0x7: {  	[tilespmem:s2], [sflag:$0x2] =	stream.linear.gather [hbm4b:s4+s2], $0x200, $0x38;
	[tilespmem:$0x8200] =	vst v63  }
0x8: {  	_ =	swait.ge [sflag:s3], $0x200  }
0x9: {  	s6 =	simm.s32 $0x80;
	[sflag:s3] =	ssyncset.done $0x0  }
0xa: {  	s7 =	simm.s32 $0x200;
	s5 =	sadd.s32 $0x800, s14;
	[sflag:s3] =	ssyncadd.s32 $0xFFFFFE00  }
0xb: {  	[tilespmem:s7], [sflag:$0x1] =	stream.indirect.gather [hbm4b:s5+s6], $0x40, s2, s6, $0xb8;
	[tilespmem:$0x8200] =	vst v63  }
0xc: {  	s8 =	simm.s32 $0x2200  }
0xd: {  	[tilespmem:s8], [sflag:$0x1] =	stream.indirect.gather [hbm4b:s5+s6], $0x40, s6, s6, $0xb8;
	[tilespmem:$0x8200] =	vst v63  }
0xe: {  	s9 =	simm.s32 $0x100;
	s10 =	simm.s32 $0x4200  }
0xf: {  	[tilespmem:s10], [sflag:$0x1] =	stream.indirect.gather [hbm4b:s5+s6], $0x40, s9, s6, $0xb8;
	[tilespmem:$0x8200] =	vst v63  }
0x10: {  	s11 =	simm.s32 $0x180;
	s12 =	simm.s32 $0x6200;
	s13 =	simm.s32 $0x1  }
0x11: {  	[tilespmem:s12], [sflag:$0x1] =	stream.indirect.gather [hbm4b:s5+s6], $0x40, s11, s6, $0xb8;
	[tilespmem:$0x8200] =	vst v63  }
0x12: {  	_ =	swait.ge [sflag:s13], $0x2000  }
0x13: {  	[sflag:s13] =	ssyncset.done $0x0  }
0x14: {  	[sflag:s13] =	ssyncadd.s32 $0xFFFFE000  }
0x15: {  	_ =	swait.ge [sflag:s13], $0x2000  }
0x16: {  	[sflag:s13] =	ssyncset.done $0x0  }
0x17: {  	s15 =	ssub.s32 $0x2, s15;
	[sflag:s13] =	ssyncadd.s32 $0xFFFFE000  }
0x18: {  	s17 =	sshrl.u32 s15, $0x1;
	_ =	swait.ge [sflag:s13], $0x2000  }
0x19: {  	s15 =	ssub.s32 s15, s17;
	[sflag:s13] =	ssyncset.done $0x0  }
0x1a: {  	s15 =	smax.u32 s15, $0x1;
	[sflag:s13] =	ssyncadd.s32 $0xFFFFE000  }
0x1b: {  	s16 =	sshll.u32 s16, $0xC;
	p0 =	sne.s32 s15, $0x1;
	_ =	swait.ge [sflag:s13], $0x2000  }
.Ltmp0:
0x1c: {  	s14 =	sadd.s32 s16, s14;
	[sflag:s13] =	ssyncset.done $0x0;
	(pc) =	sbr.rel @!p0 .LBB2_2-.Ltmp0, $4  }
0x1d: {  	s14 =	sadd.s32 $0x3000, s14;
	[sflag:s13] =	ssyncadd.s32 $0xFFFFE000  }
0x1e: {  	[hbm4b:s14+s2] =	stream.linear.scatter [tilespmem:s7], [sflag:$0x2], $0x8000, $0x38;
	[tilespmem:$0x8200] =	vst v63  }
0x1f: {  	_ =	swait.ge [sflag:s3], $0x8000  }
0x20: {  	s15 =	sadd.s32 $0xFFFFFFFF, s15;
	[sflag:s3] =	ssyncset.done $0x0  }
.LBB2_1:
0x21: {  	p0 =	sne.s32 s15, $0x1;
	s15 =	sadd.s32 $0xFFFFFFFF, s15;
	[sflag:s3] =	ssyncadd.s32 $0xFFFF8000  }
0x22: {  	[tilespmem:s2], [sflag:$0x2] =	stream.linear.gather [hbm4b:s4+s2], $0x200, $0x38;
	[tilespmem:$0x8200] =	vst v63  }
0x23: {  	_ =	swait.ge [sflag:s3], $0x200  }
0x24: {  	[sflag:s3] =	ssyncset.done $0x0  }
0x25: {  	[sflag:s3] =	ssyncadd.s32 $0xFFFFFE00  }
0x26: {  	[tilespmem:s7], [sflag:$0x1] =	stream.indirect.gather [hbm4b:s5+s6], $0x40, s2, s6, $0xb8;
	[tilespmem:$0x8200] =	vst v63  }
0x27: {  	_ = 	snop  }
0x28: {  	[tilespmem:s8], [sflag:$0x1] =	stream.indirect.gather [hbm4b:s5+s6], $0x40, s6, s6, $0xb8;
	[tilespmem:$0x8200] =	vst v63  }
0x29: {  	_ = 	snop  }
0x2a: {  	[tilespmem:s10], [sflag:$0x1] =	stream.indirect.gather [hbm4b:s5+s6], $0x40, s9, s6, $0xb8;
	[tilespmem:$0x8200] =	vst v63  }
0x2b: {  	_ = 	snop  }
0x2c: {  	[tilespmem:s12], [sflag:$0x1] =	stream.indirect.gather [hbm4b:s5+s6], $0x40, s11, s6, $0xb8;
	[tilespmem:$0x8200] =	vst v63  }
0x2d: {  	_ =	swait.ge [sflag:s13], $0x2000  }
0x2e: {  	[sflag:s13] =	ssyncset.done $0x0  }
0x2f: {  	[sflag:s13] =	ssyncadd.s32 $0xFFFFE000  }
0x30: {  	_ =	swait.ge [sflag:s13], $0x2000  }
0x31: {  	[sflag:s13] =	ssyncset.done $0x0  }
0x32: {  	[sflag:s13] =	ssyncadd.s32 $0xFFFFE000  }
0x33: {  	_ =	swait.ge [sflag:s13], $0x2000  }
0x34: {  	[sflag:s13] =	ssyncset.done $0x0  }
0x35: {  	[sflag:s13] =	ssyncadd.s32 $0xFFFFE000  }
0x36: {  	_ =	swait.ge [sflag:s13], $0x2000  }
.Ltmp1:
0x37: {  	[sflag:s13] =	ssyncset.done $0x0;
	(pc) =	sbr.rel @p0 .LBB2_1-.Ltmp1, $4  }
0x38: {  	[sflag:s13] =	ssyncadd.s32 $0xFFFFE000  }
0x39: {  	[hbm4b:s14+s2] =	stream.linear.scatter [tilespmem:s7], [sflag:$0x2], $0x8000, $0x38;
	[tilespmem:$0x8200] =	vst v63  }
0x3a: {  	_ =	swait.ge [sflag:s3], $0x8000  }
0x3b: {  	[sflag:s3] =	ssyncset.done $0x0  }
.LBB2_2:
0x3c: {  	[sflag:s3] =	ssyncadd.s32 $0xFFFF8000  }
0x3d: {  	_ =	sfence.sel $0x180000  }
0x3e: {  	[bflag:$0x0] =	sbarrier.arrive $0xFFFF  }
0x3f: {  	p0 =	sne.s32 s0, $0x0;
	_ =	strace $0x9000004A  }
0x40: {  	s0 =	sadd.s32 @!p0 $0x100000, s1;
	[bflag:$0x2] =	sbarrier.arrive $0xFFFF  }
0x41: {  	[sflag:s0] =	ssyncadd.tile.s32 @!p0 $0x1;
	_ =	shalt  }
.Lfunc_end2:
_tile_overlayer_lowered:
.L_overlay_start_2:
0x42: {  	(tag) =	ssettag $0x2  }
0x43: {  	s0 =	rddreg [dreg:$0x0];
	s2 =	stileid.u32  }
0x44: {  	s1 =	rddreg [dreg:$0x1];
	p0 =	sne.s32 s2, $0x0  }
0x45: {  	s3 =	rddreg [dreg:$0x2];
	[bflag:$0x3] =	sbarrier.arrive $0xFFFF;
	s2 =	simm.s32 @!p0 $0x1C02  }
0x46: {  	[timem:s3], [sflag:s2] =	dma.local @!p0 [hbm:s0], s1  }
0x47: {  	s0 =	simm.s32 @!p0 $0x2  }
0x48: {  	_ =	swait.ge @!p0 [sflag:s0], s1  }
0x49: {  	s1 =	ssub.s32 @!p0 $0x0, s1;
	[sflag:s0] =	ssyncset.done @!p0 $0x0  }
0x4a: {  	[sflag:s0] =	ssyncadd.s32 @!p0 s1  }
0x4b: {  	[bflag:$0x3] =	sbarrier.arrive $0xFFFF  }
0x4c: {  	_ =	shalt  }

</sc_bundles>
